<compile_context>
chip_gen: v7x
topology: tpu7x:2x2x1
jax: 0.10.2.dev20260603
libtpu: 0.0.44.dev20260713+nightly
codegen_flags: <defaults>
</compile_context>

<pallas_src>
import functools

import jax
import jax.numpy as jnp
from jax import lax
from jax.experimental import pallas as pl
from jax.experimental.pallas import tpu as pltpu
from jax.experimental.pallas import tpu_sc as plsc

N = 10000
E = 320000
D = 128
H = 128

NC = 2
NS = 16
NW = NC * NS
L = 16

ET = E // NW
K = 128
NF = ET // K
TAIL = ET - NF * K
RPT = N // NS
BR = 2000
BF = jnp.bfloat16


def _sc_mesh():
    return plsc.VectorSubcoreMesh(core_axis_name="c", subcore_axis_name="s",
                                  num_cores=NC, num_subcores=NS)



@functools.partial(
    pl.kernel,
    mesh=_sc_mesh(),
    out_type=jax.ShapeDtypeStruct((NC, N, L), jnp.float32),
    scratch_types=[
        pltpu.VMEM_SHARED((N, L), jnp.float32),
        pltpu.VMEM((ET,), jnp.int32),
        pltpu.VMEM((K, L), jnp.float32),
        pltpu.VMEM((RPT, L), jnp.float32),
        pltpu.SemaphoreType.DMA,
    ],
    compiler_params=pltpu.CompilerParams(use_tc_tiling_on_sc=False),
)
def _deg_kernel(edges_hbm, out_hbm, acc_sh, idx_v, ones_v, z_v, sem):
    c = lax.axis_index("c")
    s = lax.axis_index("s")
    tile = c * NS + s

    def fill_z(i, _):
        z_v[i] = jnp.zeros((L,), jnp.float32)
        return 0

    lax.fori_loop(0, RPT, fill_z, 0)

    def fill_ones(i, _):
        ones_v[i] = jnp.full((L,), 1.0, jnp.float32)
        return 0

    lax.fori_loop(0, K, fill_ones, 0)

    pltpu.sync_copy(z_v, acc_sh.at[pl.ds(s * RPT, RPT)])
    plsc.subcore_barrier()

    pltpu.sync_copy(edges_hbm.at[1, pl.ds(tile * ET, ET)], idx_v)

    def body(j, _):
        pltpu.sync_copy(ones_v, acc_sh.at[idx_v.at[pl.ds(j * K, K)]], add=True)
        return 0

    lax.fori_loop(0, ET // K, body, 0)
    pltpu.sync_copy(ones_v.at[pl.ds(0, ET - (ET // K) * K)],
                    acc_sh.at[idx_v.at[pl.ds((ET // K) * K, ET - (ET // K) * K)]],
                    add=True)
    plsc.subcore_barrier()

    pltpu.sync_copy(acc_sh.at[pl.ds(s * RPT, RPT)],
                    out_hbm.at[c, pl.ds(s * RPT, RPT)])



@functools.partial(
    pl.kernel,
    mesh=_sc_mesh(),
    out_type=jax.ShapeDtypeStruct((NC, N, H), BF),
    scratch_types=[
        pltpu.VMEM_SHARED((N, H), BF),
        pltpu.VMEM((ET,), jnp.int32),
        pltpu.VMEM((ET,), jnp.int32),
        pltpu.VMEM((K, H), BF),
        pltpu.VMEM((K, H), BF),
        pltpu.VMEM((K, H), BF),
        pltpu.VMEM((K, H), BF),
        pltpu.SemaphoreType.DMA,
        pltpu.SemaphoreType.DMA,
        pltpu.SemaphoreType.DMA,
        pltpu.SemaphoreType.DMA,
    ],
    compiler_params=pltpu.CompilerParams(use_tc_tiling_on_sc=False),
)
def _agg_kernel(edges_hbm, y_hbm, out_hbm,
                acc_sh, src_v, dst_v, rows0, rows1, rows2, rows3,
                semA, semB, semC, semD):
    c = lax.axis_index("c")
    s = lax.axis_index("s")
    tile = c * NS + s

    def fill_row(i, _):
        def fill_lane(k, _):
            rows0[i, pl.ds(k * 2 * L, 2 * L)] = jnp.zeros((2 * L,), BF)
            return 0

        lax.fori_loop(0, H // (2 * L), fill_lane, 0)
        return 0

    lax.fori_loop(0, K, fill_row, 0)

    def zcopy(m, _):
        pltpu.sync_copy(rows0, acc_sh.at[pl.ds(s * RPT + m * K, K)])
        return 0

    lax.fori_loop(0, RPT // K, zcopy, 0)
    pltpu.sync_copy(rows0.at[pl.ds(0, RPT - (RPT // K) * K)],
                    acc_sh.at[pl.ds(s * RPT + (RPT // K) * K,
                                    RPT - (RPT // K) * K)])
    plsc.subcore_barrier()

    pltpu.sync_copy(edges_hbm.at[0, pl.ds(tile * ET, ET)], src_v)
    pltpu.sync_copy(edges_hbm.at[1, pl.ds(tile * ET, ET)], dst_v)

    bufs = (rows0, rows1, rows2, rows3)
    sems = (semA, semB, semC, semD)
    for b in range(3):
        pltpu.async_copy(y_hbm.at[src_v.at[pl.ds(b * K, K)]], bufs[b],
                         sems[b])

    def body(i, _):
        for b in range(4):
            a = 4 * i + b
            pltpu.make_async_copy(
                y_hbm.at[src_v.at[pl.ds(a * K, K)]], bufs[b], sems[b]).wait()

            @pl.when(a + 3 < NF)
            def _():
                pltpu.async_copy(
                    y_hbm.at[src_v.at[pl.ds((a + 3) * K, K)]],
                    bufs[(b + 3) % 4], sems[(b + 3) % 4])

            pltpu.sync_copy(bufs[b], acc_sh.at[dst_v.at[pl.ds(a * K, K)]],
                            add=True)
        return 0

    lax.fori_loop(0, NF // 4, body, 0)
    for a in range(4 * (NF // 4), NF):
        b = a % 4
        pltpu.make_async_copy(
            y_hbm.at[src_v.at[pl.ds(a * K, K)]], bufs[b], sems[b]).wait()
        pltpu.sync_copy(bufs[b], acc_sh.at[dst_v.at[pl.ds(a * K, K)]],
                        add=True)
    pltpu.async_copy(y_hbm.at[src_v.at[pl.ds(NF * K, TAIL)]],
                     rows0.at[pl.ds(0, TAIL)], semA)
    pltpu.make_async_copy(y_hbm.at[src_v.at[pl.ds(NF * K, TAIL)]],
                          rows0.at[pl.ds(0, TAIL)], semA).wait()
    pltpu.sync_copy(rows0.at[pl.ds(0, TAIL)],
                    acc_sh.at[dst_v.at[pl.ds(NF * K, TAIL)]], add=True)

    plsc.subcore_barrier()
    pltpu.sync_copy(acc_sh.at[pl.ds(s * RPT, RPT)],
                    out_hbm.at[c, pl.ds(s * RPT, RPT)])



def _mid_body(x_ref, w1_ref, degp_ref, y_ref):
    xw = jnp.dot(x_ref[...], w1_ref[...], preferred_element_type=jnp.float32)
    deg = degp_ref[0, :, 0:1] + degp_ref[1, :, 0:1] + 1.0
    dis = lax.rsqrt(deg)
    y_ref[...] = xw * dis


def _head_body(degp_ref, acc_ref, y_ref, b1_ref, w2_ref, b2_ref, out_ref):
    deg = degp_ref[0, :, 0:1] + degp_ref[1, :, 0:1] + 1.0
    dis = lax.rsqrt(deg)
    acc = acc_ref[...] + y_ref[...]
    h = jnp.maximum(dis * acc + b1_ref[...], 0.0)
    out_ref[...] = jnp.sum(h * w2_ref[...], axis=1, keepdims=True) + b2_ref[...]


def kernel(x, edge_index, W1, b1, W2, b2):
    deg_parts = _deg_kernel(edge_index)

    y = pl.pallas_call(
        _mid_body,
        grid=(N // BR,),
        in_specs=[
            pl.BlockSpec((BR, D), lambda i: (i, 0)),
            pl.BlockSpec((D, H), lambda i: (0, 0)),
            pl.BlockSpec((NC, BR, L), lambda i: (0, i, 0)),
        ],
        out_specs=pl.BlockSpec((BR, H), lambda i: (i, 0)),
        out_shape=jax.ShapeDtypeStruct((N, H), jnp.float32),
    )(x, W1, deg_parts)

    acc_parts = _agg_kernel(edge_index, y.astype(BF))
    acc = (acc_parts[0].astype(jnp.float32)
           + acc_parts[1].astype(jnp.float32))

    out2d = pl.pallas_call(
        _head_body,
        grid=(N // BR,),
        in_specs=[
            pl.BlockSpec((NC, BR, L), lambda i: (0, i, 0)),
            pl.BlockSpec((BR, H), lambda i: (i, 0)),
            pl.BlockSpec((BR, H), lambda i: (i, 0)),
            pl.BlockSpec((1, H), lambda i: (0, 0)),
            pl.BlockSpec((1, H), lambda i: (0, 0)),
            pl.BlockSpec((1, 1), lambda i: (0, 0)),
        ],
        out_specs=pl.BlockSpec((BR, 1), lambda i: (i, 0)),
        out_shape=jax.ShapeDtypeStruct((N, 1), jnp.float32),
    )(deg_parts, acc, y, b1.reshape(1, H), W2.reshape(1, H),
      b2.reshape(1, 1))

    return out2d.reshape(N)

# --- scband reference (transcript-rebuilt; emitter-appended) ---
"""Pipeline reference for scband-satellite-gcn-63668595196286 (READ-ONLY COPY).

The authoritative reference and input builder live on the scoring server;
editing this copy changes nothing except your own understanding.
"""

import jax, jax.numpy as jnp
import numpy as np

N = 10000
E = 320000
D = 128
H = 128
OUT = 1


def setup_inputs(seed: int = 0) -> dict:
    key = jax.random.key(seed)
    k1, k2, k3, k4 = jax.random.split(key, 4)
    x = jax.random.normal(k1, (N, D), dtype=jnp.float32)
    edge_index = jax.random.randint(k2, (2, E), 0, N, dtype=jnp.int32)
    W1 = jax.random.normal(k3, (D, H), dtype=jnp.float32) * 0.05
    b1 = jnp.zeros((H,), dtype=jnp.float32)
    W2 = jax.random.normal(k4, (H, OUT), dtype=jnp.float32) * 0.05
    b2 = jnp.zeros((OUT,), dtype=jnp.float32)
    return {"x": x, "edge_index": edge_index, "W1": W1, "b1": b1, "W2": W2, "b2": b2}


def _gcn_conv(x, edge_index, W, b):
    # Faithful GCNConv: add self-loops, symmetric normalization, scatter-add aggregation
    n = x.shape[0]
    loops = jnp.arange(n, dtype=edge_index.dtype)
    src = jnp.concatenate([edge_index[0], loops])
    dst = jnp.concatenate([edge_index[1], loops])
    deg = jnp.zeros((n,), dtype=x.dtype).at[dst].add(1.0)
    deg_inv_sqrt = jnp.where(deg > 0, jax.lax.rsqrt(jnp.maximum(deg, 1e-12)), 0.0)
    norm = deg_inv_sqrt[src] * deg_inv_sqrt[dst]
    xw = x @ W
    msgs = xw[src] * norm[:, None]
    out = jnp.zeros((n, W.shape[1]), dtype=x.dtype).at[dst].add(msgs)
    return out + b


def reference(x, edge_index, W1, b1, W2, b2):
    h = jax.nn.relu(_gcn_conv(x, edge_index, W1, b1))
    out = h @ W2 + b2
    return jnp.squeeze(out, -1)

if __name__ == "__main__":
    import jax
    _d = setup_inputs()
    print(jax.jit(kernel)(*tuple(_d.values())))

</pallas_src>

<mosaic_0001>
#map = affine_map<(d0, d1) -> (0, 0)>
#map1 = affine_map<(d0, d1) -> (0, 0, 0)>
module attributes {stable_mosaic.version = 14 : i64} {
  func.func @_deg_kernel(%arg0: i32, %arg1: i32, %arg2: memref<2x320000xi32, #tpu.memory_space<hbm>>, %arg3: memref<2x10000x16xf32, #tpu.memory_space<hbm>>, %arg4: memref<10000x16xf32, #tpu.memory_space<vmem_shared>>, %arg5: memref<10000xi32, #tpu.memory_space<vmem>>, %arg6: memref<128x16xf32, #tpu.memory_space<vmem>>, %arg7: memref<625x16xf32, #tpu.memory_space<vmem>>, %arg8: memref<!tpu.dma_semaphore, #tpu.memory_space<semaphore_mem>>) attributes {dimension_semantics = [#tpu.dimension_semantics<core_parallel>, #tpu.dimension_semantics<subcore_parallel>], iteration_bounds = array<i64: 2, 16>, scalar_prefetch = 0 : i64, scratch_operands = 5 : i64, tpu.core_type = #tpu.core_type<sc_vector_subcore>, window_params = [{transform_indices = #map}, {transform_indices = #map1}]} {
    %mul3A = arith.constant 16 : i32
    %mul3A_0 = arith.muli %arg0, %mul3A : i32
    %add3A = arith.addi %mul3A_0, %arg1 : i32
    %scan3A = arith.constant 0 : i32
    %scan3A_1 = arith.constant 0 : i32
    %scan3A_2 = arith.constant 625 : i32
    %scan3A_3 = arith.addi %scan3A_1, %scan3A_2 : i32
    %scan3A_4 = arith.constant 1 : i32
    %scan3A_5 = scf.for %scan3A_30 = %scan3A_1 to %scan3A_3 step %scan3A_4 iter_args(%scan3A_31 = %scan3A) -> (i32)  : i32 {
      %broadcast_in_dim3A = arith.constant 0.000000e+00 : f32
      %broadcast_in_dim3A_32 = vector.broadcast %broadcast_in_dim3A : f32 to vector<16xf32>
      %swap3A = arith.index_cast %scan3A_30 : i32 to index
      %swap3A_33 = arith.constant 0 : index
      %swap3A_34 = tpu.vector_load %arg7[%swap3A, %swap3A_33] {strides = array<i32>} : memref<625x16xf32, #tpu.memory_space<vmem>>, vector<1x16xf32>,
      %swap3A_35 = vector.shape_cast %swap3A_34 : vector<1x16xf32> to vector<16xf32>
      %swap3A_36 = vector.shape_cast %broadcast_in_dim3A_32 : vector<16xf32> to vector<1x16xf32>
      tpu.vector_store %arg7[%swap3A, %swap3A_33], %swap3A_36 {strides = array<i32>} : memref<625x16xf32, #tpu.memory_space<vmem>>, vector<1x16xf32>,
      %scan3A_37 = arith.constant 0 : i32
      scf.yield %scan3A_37 : i32
    }
    %scan3A_6 = arith.constant 625 : i32
    %scan3A_7 = arith.constant 0 : i32
    %scan3A_8 = arith.constant 0 : i32
    %scan3A_9 = arith.constant 128 : i32
    %scan3A_10 = arith.addi %scan3A_8, %scan3A_9 : i32
    %scan3A_11 = arith.constant 1 : i32
    %scan3A_12 = scf.for %scan3A_30 = %scan3A_8 to %scan3A_10 step %scan3A_11 iter_args(%scan3A_31 = %scan3A_7) -> (i32)  : i32 {
      %broadcast_in_dim3A = arith.constant 1.000000e+00 : f32
      %broadcast_in_dim3A_32 = vector.broadcast %broadcast_in_dim3A : f32 to vector<16xf32>
      %swap3A = arith.index_cast %scan3A_30 : i32 to index
      %swap3A_33 = arith.constant 0 : index
      %swap3A_34 = tpu.vector_load %arg6[%swap3A, %swap3A_33] {strides = array<i32>} : memref<128x16xf32, #tpu.memory_space<vmem>>, vector<1x16xf32>,
      %swap3A_35 = vector.shape_cast %swap3A_34 : vector<1x16xf32> to vector<16xf32>
      %swap3A_36 = vector.shape_cast %broadcast_in_dim3A_32 : vector<16xf32> to vector<1x16xf32>
      tpu.vector_store %arg6[%swap3A, %swap3A_33], %swap3A_36 {strides = array<i32>} : memref<128x16xf32, #tpu.memory_space<vmem>>, vector<1x16xf32>,
      %scan3A_37 = arith.constant 0 : i32
      scf.yield %scan3A_37 : i32
    }
    %scan3A_13 = arith.constant 128 : i32
    %mul3A_14 = arith.constant 625 : i32
    %mul3A_15 = arith.muli %arg1, %mul3A_14 : i32
    "tpu.region"() ({
      %run_scoped3A_30 = tpu.sem_alloc : memref<!tpu.dma_semaphore, #tpu.memory_space<semaphore_mem>>
      %dma_start3A = arith.constant 0 : i32
      %dma_start3A_31 = tpu.memref_slice %arg4[%mul3A_15, %dma_start3A] : memref<10000x16xf32, #tpu.memory_space<vmem_shared>> -> memref<625x16xf32, #tpu.memory_space<vmem_shared>>
      %dma_start3A_32 = arith.constant 0 : i32
      %dma_start3A_33 = tpu.memref_slice %arg4[%mul3A_15, %dma_start3A_32] : memref<10000x16xf32, #tpu.memory_space<vmem_shared>> -> memref<625x16xf32, #tpu.memory_space<vmem_shared>>
      tpu.enqueue_dma source(%arg7 : memref<625x16xf32, #tpu.memory_space<vmem>>) target(%dma_start3A_33 : memref<625x16xf32, #tpu.memory_space<vmem_shared>>) target_semaphore(%run_scoped3A_30 : memref<!tpu.dma_semaphore, #tpu.memory_space<semaphore_mem>>)
      %dma_wait3A = arith.constant 0 : i32
      %dma_wait3A_34 = tpu.memref_slice %arg4[%mul3A_15, %dma_wait3A] : memref<10000x16xf32, #tpu.memory_space<vmem_shared>> -> memref<625x16xf32, #tpu.memory_space<vmem_shared>>
      %dma_wait3A_35 = arith.constant 0 : i32
      %dma_wait3A_36 = tpu.memref_slice %arg4[%mul3A_15, %dma_wait3A_35] : memref<10000x16xf32, #tpu.memory_space<vmem_shared>> -> memref<625x16xf32, #tpu.memory_space<vmem_shared>>
      tpu.wait_dma2 semaphore(%run_scoped3A_30 : memref<!tpu.dma_semaphore, #tpu.memory_space<semaphore_mem>>) src(%arg7 : memref<625x16xf32, #tpu.memory_space<vmem>>) dst(%dma_wait3A_36 : memref<625x16xf32, #tpu.memory_space<vmem_shared>>)
      tpu.yield
    }) : () -> ()
    %barrier3A = arith.constant 0 : index
    tpu.barrier barrier_id(%barrier3A)
    %mul3A_16 = arith.constant 10000 : i32
    %mul3A_17 = arith.muli %add3A, %mul3A_16 : i32
    %run_scoped3A = arith.constant 1 : i32
    "tpu.region"() ({
      %run_scoped3A_30 = tpu.sem_alloc : memref<!tpu.dma_semaphore, #tpu.memory_space<semaphore_mem>>
      %dma_start3A = tpu.memref_slice %arg2[%run_scoped3A, %mul3A_17] : memref<2x320000xi32, #tpu.memory_space<hbm>> -> memref<1x10000xi32, #tpu.memory_space<hbm>>
      %dma_start3A_31 = tpu.memref_squeeze %dma_start3A : memref<1x10000xi32, #tpu.memory_space<hbm>> -> memref<10000xi32, #tpu.memory_space<hbm>>
      %dma_start3A_32 = tpu.memref_slice %arg2[%run_scoped3A, %mul3A_17] : memref<2x320000xi32, #tpu.memory_space<hbm>> -> memref<1x10000xi32, #tpu.memory_space<hbm>>
      %dma_start3A_33 = tpu.memref_squeeze %dma_start3A_32 : memref<1x10000xi32, #tpu.memory_space<hbm>> -> memref<10000xi32, #tpu.memory_space<hbm>>
      tpu.enqueue_dma source(%dma_start3A_33 : memref<10000xi32, #tpu.memory_space<hbm>>) target(%arg5 : memref<10000xi32, #tpu.memory_space<vmem>>) target_semaphore(%run_scoped3A_30 : memref<!tpu.dma_semaphore, #tpu.memory_space<semaphore_mem>>)
      %dma_wait3A = tpu.memref_slice %arg2[%run_scoped3A, %mul3A_17] : memref<2x320000xi32, #tpu.memory_space<hbm>> -> memref<1x10000xi32, #tpu.memory_space<hbm>>
      %dma_wait3A_34 = tpu.memref_squeeze %dma_wait3A : memref<1x10000xi32, #tpu.memory_space<hbm>> -> memref<10000xi32, #tpu.memory_space<hbm>>
      %dma_wait3A_35 = tpu.memref_slice %arg2[%run_scoped3A, %mul3A_17] : memref<2x320000xi32, #tpu.memory_space<hbm>> -> memref<1x10000xi32, #tpu.memory_space<hbm>>
      %dma_wait3A_36 = tpu.memref_squeeze %dma_wait3A_35 : memref<1x10000xi32, #tpu.memory_space<hbm>> -> memref<10000xi32, #tpu.memory_space<hbm>>
      tpu.wait_dma2 semaphore(%run_scoped3A_30 : memref<!tpu.dma_semaphore, #tpu.memory_space<semaphore_mem>>) src(%dma_wait3A_36 : memref<10000xi32, #tpu.memory_space<hbm>>) dst(%arg5 : memref<10000xi32, #tpu.memory_space<vmem>>)
      tpu.yield
    }) : () -> ()
    %scan3A_18 = arith.constant 0 : i32
    %scan3A_19 = arith.constant 0 : i32
    %scan3A_20 = arith.constant 78 : i32
    %scan3A_21 = arith.addi %scan3A_19, %scan3A_20 : i32
    %scan3A_22 = arith.constant 1 : i32
    %scan3A_23 = scf.for %scan3A_30 = %scan3A_19 to %scan3A_21 step %scan3A_22 iter_args(%scan3A_31 = %scan3A_18) -> (i32)  : i32 {
      %mul3A_32 = arith.constant 128 : i32
      %mul3A_33 = arith.muli %scan3A_30, %mul3A_32 : i32
      "tpu.region"() ({
        %run_scoped3A_35 = tpu.sem_alloc : memref<!tpu.dma_semaphore, #tpu.memory_space<semaphore_mem>>
        %dma_start3A = tpu.memref_slice %arg5[%mul3A_33] : memref<10000xi32, #tpu.memory_space<vmem>> -> memref<128xi32, #tpu.memory_space<vmem>>
        %dma_start3A_36 = arith.constant 0 : i32
        %dma_start3A_37 = arith.constant 0 : i32
        %dma_start3A_38 = tpu.memref_slice %arg4[%dma_start3A_36, %dma_start3A_37] : memref<10000x16xf32, #tpu.memory_space<vmem_shared>> -> memref<10000x16xf32, #tpu.memory_space<vmem_shared>>
        tpu.enqueue_indirect_dma source(%arg6 : memref<128x16xf32, #tpu.memory_space<vmem>>) target(%dma_start3A_38 : memref<10000x16xf32, #tpu.memory_space<vmem_shared>>) offsets(%dma_start3A : memref<128xi32, #tpu.memory_space<vmem>>) semaphore(%run_scoped3A_35 : memref<!tpu.dma_semaphore, #tpu.memory_space<semaphore_mem>>) {add = true}
        %dma_wait3A = tpu.memref_slice %arg5[%mul3A_33] : memref<10000xi32, #tpu.memory_space<vmem>> -> memref<128xi32, #tpu.memory_space<vmem>>
        %dma_wait3A_39 = arith.constant 0 : i32
        %dma_wait3A_40 = arith.constant 0 : i32
        %dma_wait3A_41 = tpu.memref_slice %arg4[%dma_wait3A_39, %dma_wait3A_40] : memref<10000x16xf32, #tpu.memory_space<vmem_shared>> -> memref<10000x16xf32, #tpu.memory_space<vmem_shared>>
        tpu.wait_indirect_dma semaphore(%run_scoped3A_35 : memref<!tpu.dma_semaphore, #tpu.memory_space<semaphore_mem>>) src(%arg6 : memref<128x16xf32, #tpu.memory_space<vmem>>) dst(%dma_wait3A_41 : memref<10000x16xf32, #tpu.memory_space<vmem_shared>>)
        tpu.yield
      }) : () -> ()
      %scan3A_34 = arith.constant 0 : i32
      scf.yield %scan3A_34 : i32
    }
    %scan3A_24 = arith.constant 78 : i32
    "tpu.region"() ({
      %run_scoped3A_30 = tpu.sem_alloc : memref<!tpu.dma_semaphore, #tpu.memory_space<semaphore_mem>>
      %dma_start3A = arith.constant 0 : i32
      %dma_start3A_31 = arith.constant 0 : i32
      %dma_start3A_32 = tpu.memref_slice %arg6[%dma_start3A, %dma_start3A_31] : memref<128x16xf32, #tpu.memory_space<vmem>> -> memref<16x16xf32, #tpu.memory_space<vmem>>
      %dma_start3A_33 = arith.constant 9984 : i32
      %dma_start3A_34 = tpu.memref_slice %arg5[%dma_start3A_33] : memref<10000xi32, #tpu.memory_space<vmem>> -> memref<16xi32, #tpu.memory_space<vmem>>
      %dma_start3A_35 = arith.constant 0 : i32
      %dma_start3A_36 = arith.constant 0 : i32
      %dma_start3A_37 = tpu.memref_slice %arg4[%dma_start3A_35, %dma_start3A_36] : memref<10000x16xf32, #tpu.memory_space<vmem_shared>> -> memref<10000x16xf32, #tpu.memory_space<vmem_shared>>
      tpu.enqueue_indirect_dma source(%dma_start3A_32 : memref<16x16xf32, #tpu.memory_space<vmem>>) target(%dma_start3A_37 : memref<10000x16xf32, #tpu.memory_space<vmem_shared>>) offsets(%dma_start3A_34 : memref<16xi32, #tpu.memory_space<vmem>>) semaphore(%run_scoped3A_30 : memref<!tpu.dma_semaphore, #tpu.memory_space<semaphore_mem>>) {add = true}
      %dma_wait3A = arith.constant 0 : i32
      %dma_wait3A_38 = arith.constant 0 : i32
      %dma_wait3A_39 = tpu.memref_slice %arg6[%dma_wait3A, %dma_wait3A_38] : memref<128x16xf32, #tpu.memory_space<vmem>> -> memref<16x16xf32, #tpu.memory_space<vmem>>
      %dma_wait3A_40 = arith.constant 9984 : i32
      %dma_wait3A_41 = tpu.memref_slice %arg5[%dma_wait3A_40] : memref<10000xi32, #tpu.memory_space<vmem>> -> memref<16xi32, #tpu.memory_space<vmem>>
      %dma_wait3A_42 = arith.constant 0 : i32
      %dma_wait3A_43 = arith.constant 0 : i32
      %dma_wait3A_44 = tpu.memref_slice %arg4[%dma_wait3A_42, %dma_wait3A_43] : memref<10000x16xf32, #tpu.memory_space<vmem_shared>> -> memref<10000x16xf32, #tpu.memory_space<vmem_shared>>
      tpu.wait_indirect_dma semaphore(%run_scoped3A_30 : memref<!tpu.dma_semaphore, #tpu.memory_space<semaphore_mem>>) src(%dma_wait3A_39 : memref<16x16xf32, #tpu.memory_space<vmem>>) dst(%dma_wait3A_44 : memref<10000x16xf32, #tpu.memory_space<vmem_shared>>)
      tpu.yield
    }) : () -> ()
    %barrier3A_25 = arith.constant 0 : index
    tpu.barrier barrier_id(%barrier3A_25)
    %mul3A_26 = arith.constant 625 : i32
    %mul3A_27 = arith.muli %arg1, %mul3A_26 : i32
    %mul3A_28 = arith.constant 625 : i32
    %mul3A_29 = arith.muli %arg1, %mul3A_28 : i32
    "tpu.region"() ({
      %run_scoped3A_30 = tpu.sem_alloc : memref<!tpu.dma_semaphore, #tpu.memory_space<semaphore_mem>>
      %dma_start3A = arith.constant 0 : i32
      %dma_start3A_31 = tpu.memref_slice %arg3[%arg0, %mul3A_29, %dma_start3A] : memref<2x10000x16xf32, #tpu.memory_space<hbm>> -> memref<1x625x16xf32, #tpu.memory_space<hbm>>
      %dma_start3A_32 = tpu.memref_squeeze %dma_start3A_31 : memref<1x625x16xf32, #tpu.memory_space<hbm>> -> memref<625x16xf32, #tpu.memory_space<hbm>>
      %dma_start3A_33 = arith.constant 0 : i32
      %dma_start3A_34 = tpu.memref_slice %arg4[%mul3A_27, %dma_start3A_33] : memref<10000x16xf32, #tpu.memory_space<vmem_shared>> -> memref<625x16xf32, #tpu.memory_space<vmem_shared>>
      tpu.enqueue_dma source(%dma_start3A_34 : memref<625x16xf32, #tpu.memory_space<vmem_shared>>) target(%dma_start3A_32 : memref<625x16xf32, #tpu.memory_space<hbm>>) target_semaphore(%run_scoped3A_30 : memref<!tpu.dma_semaphore, #tpu.memory_space<semaphore_mem>>)
      %dma_wait3A = arith.constant 0 : i32
      %dma_wait3A_35 = tpu.memref_slice %arg3[%arg0, %mul3A_29, %dma_wait3A] : memref<2x10000x16xf32, #tpu.memory_space<hbm>> -> memref<1x625x16xf32, #tpu.memory_space<hbm>>
      %dma_wait3A_36 = tpu.memref_squeeze %dma_wait3A_35 : memref<1x625x16xf32, #tpu.memory_space<hbm>> -> memref<625x16xf32, #tpu.memory_space<hbm>>
      %dma_wait3A_37 = arith.constant 0 : i32
      %dma_wait3A_38 = tpu.memref_slice %arg4[%mul3A_27, %dma_wait3A_37] : memref<10000x16xf32, #tpu.memory_space<vmem_shared>> -> memref<625x16xf32, #tpu.memory_space<vmem_shared>>
      tpu.wait_dma2 semaphore(%run_scoped3A_30 : memref<!tpu.dma_semaphore, #tpu.memory_space<semaphore_mem>>) src(%dma_wait3A_38 : memref<625x16xf32, #tpu.memory_space<vmem_shared>>) dst(%dma_wait3A_36 : memref<625x16xf32, #tpu.memory_space<hbm>>)
      tpu.yield
    }) : () -> ()
    return
  }
}

#map = affine_map<(d0, d1) -> (0, 0)>
#map1 = affine_map<(d0, d1) -> (0, 0, 0)>
module attributes {stable_mosaic.version = 14 : i64} {
  func.func @_agg_kernel(%arg0: i32, %arg1: i32, %arg2: memref<2x320000xi32, #tpu.memory_space<hbm>>, %arg3: memref<10000x128xbf16, #tpu.memory_space<hbm>>, %arg4: memref<2x10000x128xbf16, #tpu.memory_space<hbm>>, %arg5: memref<10000x128xbf16, #tpu.memory_space<vmem_shared>>, %arg6: memref<10000xi32, #tpu.memory_space<vmem>>, %arg7: memref<10000xi32, #tpu.memory_space<vmem>>, %arg8: memref<128x128xbf16, #tpu.memory_space<vmem>>, %arg9: memref<128x128xbf16, #tpu.memory_space<vmem>>, %arg10: memref<128x128xbf16, #tpu.memory_space<vmem>>, %arg11: memref<128x128xbf16, #tpu.memory_space<vmem>>, %arg12: memref<!tpu.dma_semaphore, #tpu.memory_space<semaphore_mem>>, %arg13: memref<!tpu.dma_semaphore, #tpu.memory_space<semaphore_mem>>, %arg14: memref<!tpu.dma_semaphore, #tpu.memory_space<semaphore_mem>>, %arg15: memref<!tpu.dma_semaphore, #tpu.memory_space<semaphore_mem>>) attributes {dimension_semantics = [#tpu.dimension_semantics<core_parallel>, #tpu.dimension_semantics<subcore_parallel>], iteration_bounds = array<i64: 2, 16>, scalar_prefetch = 0 : i64, scratch_operands = 11 : i64, tpu.core_type = #tpu.core_type<sc_vector_subcore>, window_params = [{transform_indices = #map}, {transform_indices = #map}, {transform_indices = #map1}]} {
    %mul3A = arith.constant 16 : i32
    %mul3A_0 = arith.muli %arg0, %mul3A : i32
    %add3A = arith.addi %mul3A_0, %arg1 : i32
    %scan3A = arith.constant 0 : i32
    %scan3A_1 = arith.constant 0 : i32
    %scan3A_2 = arith.constant 128 : i32
    %scan3A_3 = arith.addi %scan3A_1, %scan3A_2 : i32
    %scan3A_4 = arith.constant 1 : i32
    %scan3A_5 = scf.for %scan3A_74 = %scan3A_1 to %scan3A_3 step %scan3A_4 iter_args(%scan3A_75 = %scan3A) -> (i32)  : i32 {
      %scan3A_76 = arith.constant 0 : i32
      %scan3A_77 = arith.constant 0 : i32
      %scan3A_78 = arith.constant 4 : i32
      %scan3A_79 = arith.addi %scan3A_77, %scan3A_78 : i32
      %scan3A_80 = arith.constant 1 : i32
      %scan3A_81 = scf.for %scan3A_84 = %scan3A_77 to %scan3A_79 step %scan3A_80 iter_args(%scan3A_85 = %scan3A_76) -> (i32)  : i32 {
        %broadcast_in_dim3A = arith.constant 0.000000e+00 : bf16
        %broadcast_in_dim3A_86 = vector.broadcast %broadcast_in_dim3A : bf16 to vector<32xbf16>
        %mul3A_87 = arith.constant 2 : i32
        %mul3A_88 = arith.muli %scan3A_84, %mul3A_87 : i32
        %mul3A_89 = arith.constant 16 : i32
        %mul3A_90 = arith.muli %mul3A_88, %mul3A_89 : i32
        %swap3A = arith.index_cast %scan3A_74 : i32 to index
        %swap3A_91 = arith.index_cast %mul3A_90 : i32 to index
        %swap3A_92 = tpu.vector_load %arg8[%swap3A, %swap3A_91] {strides = array<i32>} : memref<128x128xbf16, #tpu.memory_space<vmem>>, vector<1x32xbf16>,
        %swap3A_93 = vector.shape_cast %swap3A_92 : vector<1x32xbf16> to vector<32xbf16>
        %swap3A_94 = vector.shape_cast %broadcast_in_dim3A_86 : vector<32xbf16> to vector<1x32xbf16>
        tpu.vector_store %arg8[%swap3A, %swap3A_91], %swap3A_94 {strides = array<i32>} : memref<128x128xbf16, #tpu.memory_space<vmem>>, vector<1x32xbf16>,
        %scan3A_95 = arith.constant 0 : i32
        scf.yield %scan3A_95 : i32
      }
      %scan3A_82 = arith.constant 4 : i32
      %scan3A_83 = arith.constant 0 : i32
      scf.yield %scan3A_83 : i32
    }
    %scan3A_6 = arith.constant 128 : i32
    %scan3A_7 = arith.constant 0 : i32
    %scan3A_8 = arith.constant 0 : i32
    %scan3A_9 = arith.constant 4 : i32
    %scan3A_10 = arith.addi %scan3A_8, %scan3A_9 : i32
    %scan3A_11 = arith.constant 1 : i32
    %scan3A_12 = scf.for %scan3A_74 = %scan3A_8 to %scan3A_10 step %scan3A_11 iter_args(%scan3A_75 = %scan3A_7) -> (i32)  : i32 {
      %mul3A_76 = arith.constant 625 : i32
      %mul3A_77 = arith.muli %arg1, %mul3A_76 : i32
      %mul3A_78 = arith.constant 128 : i32
      %mul3A_79 = arith.muli %scan3A_74, %mul3A_78 : i32
      %add3A_80 = arith.addi %mul3A_77, %mul3A_79 : i32
      "tpu.region"() ({
        %run_scoped3A_82 = tpu.sem_alloc : memref<!tpu.dma_semaphore, #tpu.memory_space<semaphore_mem>>
        %dma_start3A_83 = arith.constant 0 : i32
        %dma_start3A_84 = tpu.memref_slice %arg5[%add3A_80, %dma_start3A_83] : memref<10000x128xbf16, #tpu.memory_space<vmem_shared>> -> memref<128x128xbf16, #tpu.memory_space<vmem_shared>>
        %dma_start3A_85 = arith.constant 0 : i32
        %dma_start3A_86 = tpu.memref_slice %arg5[%add3A_80, %dma_start3A_85] : memref<10000x128xbf16, #tpu.memory_space<vmem_shared>> -> memref<128x128xbf16, #tpu.memory_space<vmem_shared>>
        tpu.enqueue_dma source(%arg8 : memref<128x128xbf16, #tpu.memory_space<vmem>>) target(%dma_start3A_86 : memref<128x128xbf16, #tpu.memory_space<vmem_shared>>) target_semaphore(%run_scoped3A_82 : memref<!tpu.dma_semaphore, #tpu.memory_space<semaphore_mem>>)
        %dma_wait3A_87 = arith.constant 0 : i32
        %dma_wait3A_88 = tpu.memref_slice %arg5[%add3A_80, %dma_wait3A_87] : memref<10000x128xbf16, #tpu.memory_space<vmem_shared>> -> memref<128x128xbf16, #tpu.memory_space<vmem_shared>>
        %dma_wait3A_89 = arith.constant 0 : i32
        %dma_wait3A_90 = tpu.memref_slice %arg5[%add3A_80, %dma_wait3A_89] : memref<10000x128xbf16, #tpu.memory_space<vmem_shared>> -> memref<128x128xbf16, #tpu.memory_space<vmem_shared>>
        tpu.wait_dma2 semaphore(%run_scoped3A_82 : memref<!tpu.dma_semaphore, #tpu.memory_space<semaphore_mem>>) src(%arg8 : memref<128x128xbf16, #tpu.memory_space<vmem>>) dst(%dma_wait3A_90 : memref<128x128xbf16, #tpu.memory_space<vmem_shared>>)
        tpu.yield
      }) : () -> ()
      %scan3A_81 = arith.constant 0 : i32
      scf.yield %scan3A_81 : i32
    }
    %scan3A_13 = arith.constant 4 : i32
    %mul3A_14 = arith.constant 625 : i32
    %mul3A_15 = arith.muli %arg1, %mul3A_14 : i32
    %add3A_16 = arith.constant 512 : i32
    %add3A_17 = arith.addi %mul3A_15, %add3A_16 : i32
    "tpu.region"() ({
      %run_scoped3A_74 = tpu.sem_alloc : memref<!tpu.dma_semaphore, #tpu.memory_space<semaphore_mem>>
      %dma_start3A_75 = arith.constant 0 : i32
      %dma_start3A_76 = arith.constant 0 : i32
      %dma_start3A_77 = tpu.memref_slice %arg8[%dma_start3A_75, %dma_start3A_76] : memref<128x128xbf16, #tpu.memory_space<vmem>> -> memref<113x128xbf16, #tpu.memory_space<vmem>>
      %dma_start3A_78 = arith.constant 0 : i32
      %dma_start3A_79 = tpu.memref_slice %arg5[%add3A_17, %dma_start3A_78] : memref<10000x128xbf16, #tpu.memory_space<vmem_shared>> -> memref<113x128xbf16, #tpu.memory_space<vmem_shared>>
      %dma_start3A_80 = arith.constant 0 : i32
      %dma_start3A_81 = tpu.memref_slice %arg5[%add3A_17, %dma_start3A_80] : memref<10000x128xbf16, #tpu.memory_space<vmem_shared>> -> memref<113x128xbf16, #tpu.memory_space<vmem_shared>>
      %dma_start3A_82 = arith.constant 0 : i32
      %dma_start3A_83 = arith.constant 0 : i32
      %dma_start3A_84 = tpu.memref_slice %arg8[%dma_start3A_82, %dma_start3A_83] : memref<128x128xbf16, #tpu.memory_space<vmem>> -> memref<113x128xbf16, #tpu.memory_space<vmem>>
      tpu.enqueue_dma source(%dma_start3A_84 : memref<113x128xbf16, #tpu.memory_space<vmem>>) target(%dma_start3A_81 : memref<113x128xbf16, #tpu.memory_space<vmem_shared>>) target_semaphore(%run_scoped3A_74 : memref<!tpu.dma_semaphore, #tpu.memory_space<semaphore_mem>>)
      %dma_wait3A_85 = arith.constant 0 : i32
      %dma_wait3A_86 = arith.constant 0 : i32
      %dma_wait3A_87 = tpu.memref_slice %arg8[%dma_wait3A_85, %dma_wait3A_86] : memref<128x128xbf16, #tpu.memory_space<vmem>> -> memref<113x128xbf16, #tpu.memory_space<vmem>>
      %dma_wait3A_88 = arith.constant 0 : i32
      %dma_wait3A_89 = tpu.memref_slice %arg5[%add3A_17, %dma_wait3A_88] : memref<10000x128xbf16, #tpu.memory_space<vmem_shared>> -> memref<113x128xbf16, #tpu.memory_space<vmem_shared>>
      %dma_wait3A_90 = arith.constant 0 : i32
      %dma_wait3A_91 = tpu.memref_slice %arg5[%add3A_17, %dma_wait3A_90] : memref<10000x128xbf16, #tpu.memory_space<vmem_shared>> -> memref<113x128xbf16, #tpu.memory_space<vmem_shared>>
      %dma_wait3A_92 = arith.constant 0 : i32
      %dma_wait3A_93 = arith.constant 0 : i32
      %dma_wait3A_94 = tpu.memref_slice %arg8[%dma_wait3A_92, %dma_wait3A_93] : memref<128x128xbf16, #tpu.memory_space<vmem>> -> memref<113x128xbf16, #tpu.memory_space<vmem>>
      tpu.wait_dma2 semaphore(%run_scoped3A_74 : memref<!tpu.dma_semaphore, #tpu.memory_space<semaphore_mem>>) src(%dma_wait3A_94 : memref<113x128xbf16, #tpu.memory_space<vmem>>) dst(%dma_wait3A_91 : memref<113x128xbf16, #tpu.memory_space<vmem_shared>>)
      tpu.yield
    }) : () -> ()
    %barrier3A = arith.constant 0 : index
    tpu.barrier barrier_id(%barrier3A)
    %mul3A_18 = arith.constant 10000 : i32
    %mul3A_19 = arith.muli %add3A, %mul3A_18 : i32
    %run_scoped3A = arith.constant 0 : i32
    "tpu.region"() ({
      %run_scoped3A_74 = tpu.sem_alloc : memref<!tpu.dma_semaphore, #tpu.memory_space<semaphore_mem>>
      %dma_start3A_75 = tpu.memref_slice %arg2[%run_scoped3A, %mul3A_19] : memref<2x320000xi32, #tpu.memory_space<hbm>> -> memref<1x10000xi32, #tpu.memory_space<hbm>>
      %dma_start3A_76 = tpu.memref_squeeze %dma_start3A_75 : memref<1x10000xi32, #tpu.memory_space<hbm>> -> memref<10000xi32, #tpu.memory_space<hbm>>
      %dma_start3A_77 = tpu.memref_slice %arg2[%run_scoped3A, %mul3A_19] : memref<2x320000xi32, #tpu.memory_space<hbm>> -> memref<1x10000xi32, #tpu.memory_space<hbm>>
      %dma_start3A_78 = tpu.memref_squeeze %dma_start3A_77 : memref<1x10000xi32, #tpu.memory_space<hbm>> -> memref<10000xi32, #tpu.memory_space<hbm>>
      tpu.enqueue_dma source(%dma_start3A_78 : memref<10000xi32, #tpu.memory_space<hbm>>) target(%arg6 : memref<10000xi32, #tpu.memory_space<vmem>>) target_semaphore(%run_scoped3A_74 : memref<!tpu.dma_semaphore, #tpu.memory_space<semaphore_mem>>)
      %dma_wait3A_79 = tpu.memref_slice %arg2[%run_scoped3A, %mul3A_19] : memref<2x320000xi32, #tpu.memory_space<hbm>> -> memref<1x10000xi32, #tpu.memory_space<hbm>>
      %dma_wait3A_80 = tpu.memref_squeeze %dma_wait3A_79 : memref<1x10000xi32, #tpu.memory_space<hbm>> -> memref<10000xi32, #tpu.memory_space<hbm>>
      %dma_wait3A_81 = tpu.memref_slice %arg2[%run_scoped3A, %mul3A_19] : memref<2x320000xi32, #tpu.memory_space<hbm>> -> memref<1x10000xi32, #tpu.memory_space<hbm>>
      %dma_wait3A_82 = tpu.memref_squeeze %dma_wait3A_81 : memref<1x10000xi32, #tpu.memory_space<hbm>> -> memref<10000xi32, #tpu.memory_space<hbm>>
      tpu.wait_dma2 semaphore(%run_scoped3A_74 : memref<!tpu.dma_semaphore, #tpu.memory_space<semaphore_mem>>) src(%dma_wait3A_82 : memref<10000xi32, #tpu.memory_space<hbm>>) dst(%arg6 : memref<10000xi32, #tpu.memory_space<vmem>>)
      tpu.yield
    }) : () -> ()
    %mul3A_20 = arith.constant 10000 : i32
    %mul3A_21 = arith.muli %add3A, %mul3A_20 : i32
    %run_scoped3A_22 = arith.constant 1 : i32
    "tpu.region"() ({
      %run_scoped3A_74 = tpu.sem_alloc : memref<!tpu.dma_semaphore, #tpu.memory_space<semaphore_mem>>
      %dma_start3A_75 = tpu.memref_slice %arg2[%run_scoped3A_22, %mul3A_21] : memref<2x320000xi32, #tpu.memory_space<hbm>> -> memref<1x10000xi32, #tpu.memory_space<hbm>>
      %dma_start3A_76 = tpu.memref_squeeze %dma_start3A_75 : memref<1x10000xi32, #tpu.memory_space<hbm>> -> memref<10000xi32, #tpu.memory_space<hbm>>
      %dma_start3A_77 = tpu.memref_slice %arg2[%run_scoped3A_22, %mul3A_21] : memref<2x320000xi32, #tpu.memory_space<hbm>> -> memref<1x10000xi32, #tpu.memory_space<hbm>>
      %dma_start3A_78 = tpu.memref_squeeze %dma_start3A_77 : memref<1x10000xi32, #tpu.memory_space<hbm>> -> memref<10000xi32, #tpu.memory_space<hbm>>
      tpu.enqueue_dma source(%dma_start3A_78 : memref<10000xi32, #tpu.memory_space<hbm>>) target(%arg7 : memref<10000xi32, #tpu.memory_space<vmem>>) target_semaphore(%run_scoped3A_74 : memref<!tpu.dma_semaphore, #tpu.memory_space<semaphore_mem>>)
      %dma_wait3A_79 = tpu.memref_slice %arg2[%run_scoped3A_22, %mul3A_21] : memref<2x320000xi32, #tpu.memory_space<hbm>> -> memref<1x10000xi32, #tpu.memory_space<hbm>>
      %dma_wait3A_80 = tpu.memref_squeeze %dma_wait3A_79 : memref<1x10000xi32, #tpu.memory_space<hbm>> -> memref<10000xi32, #tpu.memory_space<hbm>>
      %dma_wait3A_81 = tpu.memref_slice %arg2[%run_scoped3A_22, %mul3A_21] : memref<2x320000xi32, #tpu.memory_space<hbm>> -> memref<1x10000xi32, #tpu.memory_space<hbm>>
      %dma_wait3A_82 = tpu.memref_squeeze %dma_wait3A_81 : memref<1x10000xi32, #tpu.memory_space<hbm>> -> memref<10000xi32, #tpu.memory_space<hbm>>
      tpu.wait_dma2 semaphore(%run_scoped3A_74 : memref<!tpu.dma_semaphore, #tpu.memory_space<semaphore_mem>>) src(%dma_wait3A_82 : memref<10000xi32, #tpu.memory_space<hbm>>) dst(%arg7 : memref<10000xi32, #tpu.memory_space<vmem>>)
      tpu.yield
    }) : () -> ()
    %dma_start3A = arith.constant 0 : i32
    %dma_start3A_23 = tpu.memref_slice %arg6[%dma_start3A] : memref<10000xi32, #tpu.memory_space<vmem>> -> memref<128xi32, #tpu.memory_space<vmem>>
    %dma_start3A_24 = arith.constant 0 : i32
    %dma_start3A_25 = arith.constant 0 : i32
    %dma_start3A_26 = tpu.memref_slice %arg3[%dma_start3A_24, %dma_start3A_25] : memref<10000x128xbf16, #tpu.memory_space<hbm>> -> memref<10000x128xbf16, #tpu.memory_space<hbm>>
    tpu.enqueue_indirect_dma source(%dma_start3A_26 : memref<10000x128xbf16, #tpu.memory_space<hbm>>) target(%arg8 : memref<128x128xbf16, #tpu.memory_space<vmem>>) offsets(%dma_start3A_23 : memref<128xi32, #tpu.memory_space<vmem>>) semaphore(%arg12 : memref<!tpu.dma_semaphore, #tpu.memory_space<semaphore_mem>>)
    %dma_start3A_27 = arith.constant 128 : i32
    %dma_start3A_28 = tpu.memref_slice %arg6[%dma_start3A_27] : memref<10000xi32, #tpu.memory_space<vmem>> -> memref<128xi32, #tpu.memory_space<vmem>>
    %dma_start3A_29 = arith.constant 0 : i32
    %dma_start3A_30 = arith.constant 0 : i32
    %dma_start3A_31 = tpu.memref_slice %arg3[%dma_start3A_29, %dma_start3A_30] : memref<10000x128xbf16, #tpu.memory_space<hbm>> -> memref<10000x128xbf16, #tpu.memory_space<hbm>>
    tpu.enqueue_indirect_dma source(%dma_start3A_31 : memref<10000x128xbf16, #tpu.memory_space<hbm>>) target(%arg9 : memref<128x128xbf16, #tpu.memory_space<vmem>>) offsets(%dma_start3A_28 : memref<128xi32, #tpu.memory_space<vmem>>) semaphore(%arg13 : memref<!tpu.dma_semaphore, #tpu.memory_space<semaphore_mem>>)
    %dma_start3A_32 = arith.constant 256 : i32
    %dma_start3A_33 = tpu.memref_slice %arg6[%dma_start3A_32] : memref<10000xi32, #tpu.memory_space<vmem>> -> memref<128xi32, #tpu.memory_space<vmem>>
    %dma_start3A_34 = arith.constant 0 : i32
    %dma_start3A_35 = arith.constant 0 : i32
    %dma_start3A_36 = tpu.memref_slice %arg3[%dma_start3A_34, %dma_start3A_35] : memref<10000x128xbf16, #tpu.memory_space<hbm>> -> memref<10000x128xbf16, #tpu.memory_space<hbm>>
    tpu.enqueue_indirect_dma source(%dma_start3A_36 : memref<10000x128xbf16, #tpu.memory_space<hbm>>) target(%arg10 : memref<128x128xbf16, #tpu.memory_space<vmem>>) offsets(%dma_start3A_33 : memref<128xi32, #tpu.memory_space<vmem>>) semaphore(%arg14 : memref<!tpu.dma_semaphore, #tpu.memory_space<semaphore_mem>>)
    %scan3A_37 = arith.constant 0 : i32
    %scan3A_38 = arith.constant 0 : i32
    %scan3A_39 = arith.constant 19 : i32
    %scan3A_40 = arith.addi %scan3A_38, %scan3A_39 : i32
    %scan3A_41 = arith.constant 1 : i32
    %scan3A_42 = scf.for %scan3A_74 = %scan3A_38 to %scan3A_40 step %scan3A_41 iter_args(%scan3A_75 = %scan3A_37) -> (i32)  : i32 {
      %mul3A_76 = arith.constant 4 : i32
      %mul3A_77 = arith.muli %mul3A_76, %scan3A_74 : i32
      %add3A_78 = arith.constant 0 : i32
      %add3A_79 = arith.addi %mul3A_77, %add3A_78 : i32
      %mul3A_80 = arith.constant 128 : i32
      %mul3A_81 = arith.muli %add3A_79, %mul3A_80 : i32
      %dma_wait3A_82 = tpu.memref_slice %arg6[%mul3A_81] : memref<10000xi32, #tpu.memory_space<vmem>> -> memref<128xi32, #tpu.memory_space<vmem>>
      %dma_wait3A_83 = arith.constant 0 : i32
      %dma_wait3A_84 = arith.constant 0 : i32
      %dma_wait3A_85 = tpu.memref_slice %arg3[%dma_wait3A_83, %dma_wait3A_84] : memref<10000x128xbf16, #tpu.memory_space<hbm>> -> memref<10000x128xbf16, #tpu.memory_space<hbm>>
      tpu.wait_indirect_dma semaphore(%arg12 : memref<!tpu.dma_semaphore, #tpu.memory_space<semaphore_mem>>) src(%dma_wait3A_85 : memref<10000x128xbf16, #tpu.memory_space<hbm>>) dst(%arg8 : memref<128x128xbf16, #tpu.memory_space<vmem>>)
      %add3A_86 = arith.constant 3 : i32
      %add3A_87 = arith.addi %add3A_79, %add3A_86 : i32
      %lt3A = arith.constant 78 : i32
      %lt3A_88 = arith.cmpi slt, %add3A_87, %lt3A : i32
      %convert_element_type3A = arith.extui %lt3A_88 : i1 to i32
      %cond3A = arith.constant 0 : i32
      %cond3A_89 = arith.cmpi ne, %convert_element_type3A, %cond3A : i32
      scf.if %cond3A_89 {
        %add3A_150 = arith.constant 3 : i32
        %add3A_151 = arith.addi %add3A_79, %add3A_150 : i32
        %mul3A_152 = arith.constant 128 : i32
        %mul3A_153 = arith.muli %add3A_151, %mul3A_152 : i32
        %dma_start3A_154 = tpu.memref_slice %arg6[%mul3A_153] : memref<10000xi32, #tpu.memory_space<vmem>> -> memref<128xi32, #tpu.memory_space<vmem>>
        %dma_start3A_155 = arith.constant 0 : i32
        %dma_start3A_156 = arith.constant 0 : i32
        %dma_start3A_157 = tpu.memref_slice %arg3[%dma_start3A_155, %dma_start3A_156] : memref<10000x128xbf16, #tpu.memory_space<hbm>> -> memref<10000x128xbf16, #tpu.memory_space<hbm>>
        tpu.enqueue_indirect_dma source(%dma_start3A_157 : memref<10000x128xbf16, #tpu.memory_space<hbm>>) target(%arg11 : memref<128x128xbf16, #tpu.memory_space<vmem>>) offsets(%dma_start3A_154 : memref<128xi32, #tpu.memory_space<vmem>>) semaphore(%arg15 : memref<!tpu.dma_semaphore, #tpu.memory_space<semaphore_mem>>)
      } else {
      }
      %mul3A_90 = arith.constant 128 : i32
      %mul3A_91 = arith.muli %add3A_79, %mul3A_90 : i32
      "tpu.region"() ({
        %run_scoped3A_150 = tpu.sem_alloc : memref<!tpu.dma_semaphore, #tpu.memory_space<semaphore_mem>>
        %dma_start3A_151 = tpu.memref_slice %arg7[%mul3A_91] : memref<10000xi32, #tpu.memory_space<vmem>> -> memref<128xi32, #tpu.memory_space<vmem>>
        %dma_start3A_152 = arith.constant 0 : i32
        %dma_start3A_153 = arith.constant 0 : i32
        %dma_start3A_154 = tpu.memref_slice %arg5[%dma_start3A_152, %dma_start3A_153] : memref<10000x128xbf16, #tpu.memory_space<vmem_shared>> -> memref<10000x128xbf16, #tpu.memory_space<vmem_shared>>
        tpu.enqueue_indirect_dma source(%arg8 : memref<128x128xbf16, #tpu.memory_space<vmem>>) target(%dma_start3A_154 : memref<10000x128xbf16, #tpu.memory_space<vmem_shared>>) offsets(%dma_start3A_151 : memref<128xi32, #tpu.memory_space<vmem>>) semaphore(%run_scoped3A_150 : memref<!tpu.dma_semaphore, #tpu.memory_space<semaphore_mem>>) {add = true}
        %dma_wait3A_155 = tpu.memref_slice %arg7[%mul3A_91] : memref<10000xi32, #tpu.memory_space<vmem>> -> memref<128xi32, #tpu.memory_space<vmem>>
        %dma_wait3A_156 = arith.constant 0 : i32
        %dma_wait3A_157 = arith.constant 0 : i32
        %dma_wait3A_158 = tpu.memref_slice %arg5[%dma_wait3A_156, %dma_wait3A_157] : memref<10000x128xbf16, #tpu.memory_space<vmem_shared>> -> memref<10000x128xbf16, #tpu.memory_space<vmem_shared>>
        tpu.wait_indirect_dma semaphore(%run_scoped3A_150 : memref<!tpu.dma_semaphore, #tpu.memory_space<semaphore_mem>>) src(%arg8 : memref<128x128xbf16, #tpu.memory_space<vmem>>) dst(%dma_wait3A_158 : memref<10000x128xbf16, #tpu.memory_space<vmem_shared>>)
        tpu.yield
      }) : () -> ()
      %mul3A_92 = arith.constant 4 : i32
      %mul3A_93 = arith.muli %mul3A_92, %scan3A_74 : i32
      %add3A_94 = arith.constant 1 : i32
      %add3A_95 = arith.addi %mul3A_93, %add3A_94 : i32
      %mul3A_96 = arith.constant 128 : i32
      %mul3A_97 = arith.muli %add3A_95, %mul3A_96 : i32
      %dma_wait3A_98 = tpu.memref_slice %arg6[%mul3A_97] : memref<10000xi32, #tpu.memory_space<vmem>> -> memref<128xi32, #tpu.memory_space<vmem>>
      %dma_wait3A_99 = arith.constant 0 : i32
      %dma_wait3A_100 = arith.constant 0 : i32
      %dma_wait3A_101 = tpu.memref_slice %arg3[%dma_wait3A_99, %dma_wait3A_100] : memref<10000x128xbf16, #tpu.memory_space<hbm>> -> memref<10000x128xbf16, #tpu.memory_space<hbm>>
      tpu.wait_indirect_dma semaphore(%arg13 : memref<!tpu.dma_semaphore, #tpu.memory_space<semaphore_mem>>) src(%dma_wait3A_101 : memref<10000x128xbf16, #tpu.memory_space<hbm>>) dst(%arg9 : memref<128x128xbf16, #tpu.memory_space<vmem>>)
      %add3A_102 = arith.constant 3 : i32
      %add3A_103 = arith.addi %add3A_95, %add3A_102 : i32
      %lt3A_104 = arith.constant 78 : i32
      %lt3A_105 = arith.cmpi slt, %add3A_103, %lt3A_104 : i32
      %convert_element_type3A_106 = arith.extui %lt3A_105 : i1 to i32
      %cond3A_107 = arith.constant 0 : i32
      %cond3A_108 = arith.cmpi ne, %convert_element_type3A_106, %cond3A_107 : i32
      scf.if %cond3A_108 {
        %add3A_150 = arith.constant 3 : i32
        %add3A_151 = arith.addi %add3A_95, %add3A_150 : i32
        %mul3A_152 = arith.constant 128 : i32
        %mul3A_153 = arith.muli %add3A_151, %mul3A_152 : i32
        %dma_start3A_154 = tpu.memref_slice %arg6[%mul3A_153] : memref<10000xi32, #tpu.memory_space<vmem>> -> memref<128xi32, #tpu.memory_space<vmem>>
        %dma_start3A_155 = arith.constant 0 : i32
        %dma_start3A_156 = arith.constant 0 : i32
        %dma_start3A_157 = tpu.memref_slice %arg3[%dma_start3A_155, %dma_start3A_156] : memref<10000x128xbf16, #tpu.memory_space<hbm>> -> memref<10000x128xbf16, #tpu.memory_space<hbm>>
        tpu.enqueue_indirect_dma source(%dma_start3A_157 : memref<10000x128xbf16, #tpu.memory_space<hbm>>) target(%arg8 : memref<128x128xbf16, #tpu.memory_space<vmem>>) offsets(%dma_start3A_154 : memref<128xi32, #tpu.memory_space<vmem>>) semaphore(%arg12 : memref<!tpu.dma_semaphore, #tpu.memory_space<semaphore_mem>>)
      } else {
      }
      %mul3A_109 = arith.constant 128 : i32
      %mul3A_110 = arith.muli %add3A_95, %mul3A_109 : i32
      "tpu.region"() ({
        %run_scoped3A_150 = tpu.sem_alloc : memref<!tpu.dma_semaphore, #tpu.memory_space<semaphore_mem>>
        %dma_start3A_151 = tpu.memref_slice %arg7[%mul3A_110] : memref<10000xi32, #tpu.memory_space<vmem>> -> memref<128xi32, #tpu.memory_space<vmem>>
        %dma_start3A_152 = arith.constant 0 : i32
        %dma_start3A_153 = arith.constant 0 : i32
        %dma_start3A_154 = tpu.memref_slice %arg5[%dma_start3A_152, %dma_start3A_153] : memref<10000x128xbf16, #tpu.memory_space<vmem_shared>> -> memref<10000x128xbf16, #tpu.memory_space<vmem_shared>>
        tpu.enqueue_indirect_dma source(%arg9 : memref<128x128xbf16, #tpu.memory_space<vmem>>) target(%dma_start3A_154 : memref<10000x128xbf16, #tpu.memory_space<vmem_shared>>) offsets(%dma_start3A_151 : memref<128xi32, #tpu.memory_space<vmem>>) semaphore(%run_scoped3A_150 : memref<!tpu.dma_semaphore, #tpu.memory_space<semaphore_mem>>) {add = true}
        %dma_wait3A_155 = tpu.memref_slice %arg7[%mul3A_110] : memref<10000xi32, #tpu.memory_space<vmem>> -> memref<128xi32, #tpu.memory_space<vmem>>
        %dma_wait3A_156 = arith.constant 0 : i32
        %dma_wait3A_157 = arith.constant 0 : i32
        %dma_wait3A_158 = tpu.memref_slice %arg5[%dma_wait3A_156, %dma_wait3A_157] : memref<10000x128xbf16, #tpu.memory_space<vmem_shared>> -> memref<10000x128xbf16, #tpu.memory_space<vmem_shared>>
        tpu.wait_indirect_dma semaphore(%run_scoped3A_150 : memref<!tpu.dma_semaphore, #tpu.memory_space<semaphore_mem>>) src(%arg9 : memref<128x128xbf16, #tpu.memory_space<vmem>>) dst(%dma_wait3A_158 : memref<10000x128xbf16, #tpu.memory_space<vmem_shared>>)
        tpu.yield
      }) : () -> ()
      %mul3A_111 = arith.constant 4 : i32
      %mul3A_112 = arith.muli %mul3A_111, %scan3A_74 : i32
      %add3A_113 = arith.constant 2 : i32
      %add3A_114 = arith.addi %mul3A_112, %add3A_113 : i32
      %mul3A_115 = arith.constant 128 : i32
      %mul3A_116 = arith.muli %add3A_114, %mul3A_115 : i32
      %dma_wait3A_117 = tpu.memref_slice %arg6[%mul3A_116] : memref<10000xi32, #tpu.memory_space<vmem>> -> memref<128xi32, #tpu.memory_space<vmem>>
      %dma_wait3A_118 = arith.constant 0 : i32
      %dma_wait3A_119 = arith.constant 0 : i32
      %dma_wait3A_120 = tpu.memref_slice %arg3[%dma_wait3A_118, %dma_wait3A_119] : memref<10000x128xbf16, #tpu.memory_space<hbm>> -> memref<10000x128xbf16, #tpu.memory_space<hbm>>
      tpu.wait_indirect_dma semaphore(%arg14 : memref<!tpu.dma_semaphore, #tpu.memory_space<semaphore_mem>>) src(%dma_wait3A_120 : memref<10000x128xbf16, #tpu.memory_space<hbm>>) dst(%arg10 : memref<128x128xbf16, #tpu.memory_space<vmem>>)
      %add3A_121 = arith.constant 3 : i32
      %add3A_122 = arith.addi %add3A_114, %add3A_121 : i32
      %lt3A_123 = arith.constant 78 : i32
      %lt3A_124 = arith.cmpi slt, %add3A_122, %lt3A_123 : i32
      %convert_element_type3A_125 = arith.extui %lt3A_124 : i1 to i32
      %cond3A_126 = arith.constant 0 : i32
      %cond3A_127 = arith.cmpi ne, %convert_element_type3A_125, %cond3A_126 : i32
      scf.if %cond3A_127 {
        %add3A_150 = arith.constant 3 : i32
        %add3A_151 = arith.addi %add3A_114, %add3A_150 : i32
        %mul3A_152 = arith.constant 128 : i32
        %mul3A_153 = arith.muli %add3A_151, %mul3A_152 : i32
        %dma_start3A_154 = tpu.memref_slice %arg6[%mul3A_153] : memref<10000xi32, #tpu.memory_space<vmem>> -> memref<128xi32, #tpu.memory_space<vmem>>
        %dma_start3A_155 = arith.constant 0 : i32
        %dma_start3A_156 = arith.constant 0 : i32
        %dma_start3A_157 = tpu.memref_slice %arg3[%dma_start3A_155, %dma_start3A_156] : memref<10000x128xbf16, #tpu.memory_space<hbm>> -> memref<10000x128xbf16, #tpu.memory_space<hbm>>
        tpu.enqueue_indirect_dma source(%dma_start3A_157 : memref<10000x128xbf16, #tpu.memory_space<hbm>>) target(%arg9 : memref<128x128xbf16, #tpu.memory_space<vmem>>) offsets(%dma_start3A_154 : memref<128xi32, #tpu.memory_space<vmem>>) semaphore(%arg13 : memref<!tpu.dma_semaphore, #tpu.memory_space<semaphore_mem>>)
      } else {
      }
      %mul3A_128 = arith.constant 128 : i32
      %mul3A_129 = arith.muli %add3A_114, %mul3A_128 : i32
      "tpu.region"() ({
        %run_scoped3A_150 = tpu.sem_alloc : memref<!tpu.dma_semaphore, #tpu.memory_space<semaphore_mem>>
        %dma_start3A_151 = tpu.memref_slice %arg7[%mul3A_129] : memref<10000xi32, #tpu.memory_space<vmem>> -> memref<128xi32, #tpu.memory_space<vmem>>
        %dma_start3A_152 = arith.constant 0 : i32
        %dma_start3A_153 = arith.constant 0 : i32
        %dma_start3A_154 = tpu.memref_slice %arg5[%dma_start3A_152, %dma_start3A_153] : memref<10000x128xbf16, #tpu.memory_space<vmem_shared>> -> memref<10000x128xbf16, #tpu.memory_space<vmem_shared>>
        tpu.enqueue_indirect_dma source(%arg10 : memref<128x128xbf16, #tpu.memory_space<vmem>>) target(%dma_start3A_154 : memref<10000x128xbf16, #tpu.memory_space<vmem_shared>>) offsets(%dma_start3A_151 : memref<128xi32, #tpu.memory_space<vmem>>) semaphore(%run_scoped3A_150 : memref<!tpu.dma_semaphore, #tpu.memory_space<semaphore_mem>>) {add = true}
        %dma_wait3A_155 = tpu.memref_slice %arg7[%mul3A_129] : memref<10000xi32, #tpu.memory_space<vmem>> -> memref<128xi32, #tpu.memory_space<vmem>>
        %dma_wait3A_156 = arith.constant 0 : i32
        %dma_wait3A_157 = arith.constant 0 : i32
        %dma_wait3A_158 = tpu.memref_slice %arg5[%dma_wait3A_156, %dma_wait3A_157] : memref<10000x128xbf16, #tpu.memory_space<vmem_shared>> -> memref<10000x128xbf16, #tpu.memory_space<vmem_shared>>
        tpu.wait_indirect_dma semaphore(%run_scoped3A_150 : memref<!tpu.dma_semaphore, #tpu.memory_space<semaphore_mem>>) src(%arg10 : memref<128x128xbf16, #tpu.memory_space<vmem>>) dst(%dma_wait3A_158 : memref<10000x128xbf16, #tpu.memory_space<vmem_shared>>)
        tpu.yield
      }) : () -> ()
      %mul3A_130 = arith.constant 4 : i32
      %mul3A_131 = arith.muli %mul3A_130, %scan3A_74 : i32
      %add3A_132 = arith.constant 3 : i32
      %add3A_133 = arith.addi %mul3A_131, %add3A_132 : i32
      %mul3A_134 = arith.constant 128 : i32
      %mul3A_135 = arith.muli %add3A_133, %mul3A_134 : i32
      %dma_wait3A_136 = tpu.memref_slice %arg6[%mul3A_135] : memref<10000xi32, #tpu.memory_space<vmem>> -> memref<128xi32, #tpu.memory_space<vmem>>
      %dma_wait3A_137 = arith.constant 0 : i32
      %dma_wait3A_138 = arith.constant 0 : i32
      %dma_wait3A_139 = tpu.memref_slice %arg3[%dma_wait3A_137, %dma_wait3A_138] : memref<10000x128xbf16, #tpu.memory_space<hbm>> -> memref<10000x128xbf16, #tpu.memory_space<hbm>>
      tpu.wait_indirect_dma semaphore(%arg15 : memref<!tpu.dma_semaphore, #tpu.memory_space<semaphore_mem>>) src(%dma_wait3A_139 : memref<10000x128xbf16, #tpu.memory_space<hbm>>) dst(%arg11 : memref<128x128xbf16, #tpu.memory_space<vmem>>)
      %add3A_140 = arith.constant 3 : i32
      %add3A_141 = arith.addi %add3A_133, %add3A_140 : i32
      %lt3A_142 = arith.constant 78 : i32
      %lt3A_143 = arith.cmpi slt, %add3A_141, %lt3A_142 : i32
      %convert_element_type3A_144 = arith.extui %lt3A_143 : i1 to i32
      %cond3A_145 = arith.constant 0 : i32
      %cond3A_146 = arith.cmpi ne, %convert_element_type3A_144, %cond3A_145 : i32
      scf.if %cond3A_146 {
        %add3A_150 = arith.constant 3 : i32
        %add3A_151 = arith.addi %add3A_133, %add3A_150 : i32
        %mul3A_152 = arith.constant 128 : i32
        %mul3A_153 = arith.muli %add3A_151, %mul3A_152 : i32
        %dma_start3A_154 = tpu.memref_slice %arg6[%mul3A_153] : memref<10000xi32, #tpu.memory_space<vmem>> -> memref<128xi32, #tpu.memory_space<vmem>>
        %dma_start3A_155 = arith.constant 0 : i32
        %dma_start3A_156 = arith.constant 0 : i32
        %dma_start3A_157 = tpu.memref_slice %arg3[%dma_start3A_155, %dma_start3A_156] : memref<10000x128xbf16, #tpu.memory_space<hbm>> -> memref<10000x128xbf16, #tpu.memory_space<hbm>>
        tpu.enqueue_indirect_dma source(%dma_start3A_157 : memref<10000x128xbf16, #tpu.memory_space<hbm>>) target(%arg10 : memref<128x128xbf16, #tpu.memory_space<vmem>>) offsets(%dma_start3A_154 : memref<128xi32, #tpu.memory_space<vmem>>) semaphore(%arg14 : memref<!tpu.dma_semaphore, #tpu.memory_space<semaphore_mem>>)
      } else {
      }
      %mul3A_147 = arith.constant 128 : i32
      %mul3A_148 = arith.muli %add3A_133, %mul3A_147 : i32
      "tpu.region"() ({
        %run_scoped3A_150 = tpu.sem_alloc : memref<!tpu.dma_semaphore, #tpu.memory_space<semaphore_mem>>
        %dma_start3A_151 = tpu.memref_slice %arg7[%mul3A_148] : memref<10000xi32, #tpu.memory_space<vmem>> -> memref<128xi32, #tpu.memory_space<vmem>>
        %dma_start3A_152 = arith.constant 0 : i32
        %dma_start3A_153 = arith.constant 0 : i32
        %dma_start3A_154 = tpu.memref_slice %arg5[%dma_start3A_152, %dma_start3A_153] : memref<10000x128xbf16, #tpu.memory_space<vmem_shared>> -> memref<10000x128xbf16, #tpu.memory_space<vmem_shared>>
        tpu.enqueue_indirect_dma source(%arg11 : memref<128x128xbf16, #tpu.memory_space<vmem>>) target(%dma_start3A_154 : memref<10000x128xbf16, #tpu.memory_space<vmem_shared>>) offsets(%dma_start3A_151 : memref<128xi32, #tpu.memory_space<vmem>>) semaphore(%run_scoped3A_150 : memref<!tpu.dma_semaphore, #tpu.memory_space<semaphore_mem>>) {add = true}
        %dma_wait3A_155 = tpu.memref_slice %arg7[%mul3A_148] : memref<10000xi32, #tpu.memory_space<vmem>> -> memref<128xi32, #tpu.memory_space<vmem>>
        %dma_wait3A_156 = arith.constant 0 : i32
        %dma_wait3A_157 = arith.constant 0 : i32
        %dma_wait3A_158 = tpu.memref_slice %arg5[%dma_wait3A_156, %dma_wait3A_157] : memref<10000x128xbf16, #tpu.memory_space<vmem_shared>> -> memref<10000x128xbf16, #tpu.memory_space<vmem_shared>>
        tpu.wait_indirect_dma semaphore(%run_scoped3A_150 : memref<!tpu.dma_semaphore, #tpu.memory_space<semaphore_mem>>) src(%arg11 : memref<128x128xbf16, #tpu.memory_space<vmem>>) dst(%dma_wait3A_158 : memref<10000x128xbf16, #tpu.memory_space<vmem_shared>>)
        tpu.yield
      }) : () -> ()
      %scan3A_149 = arith.constant 0 : i32
      scf.yield %scan3A_149 : i32
    }
    %scan3A_43 = arith.constant 19 : i32
    %dma_wait3A = arith.constant 9728 : i32
    %dma_wait3A_44 = tpu.memref_slice %arg6[%dma_wait3A] : memref<10000xi32, #tpu.memory_space<vmem>> -> memref<128xi32, #tpu.memory_space<vmem>>
    %dma_wait3A_45 = arith.constant 0 : i32
    %dma_wait3A_46 = arith.constant 0 : i32
    %dma_wait3A_47 = tpu.memref_slice %arg3[%dma_wait3A_45, %dma_wait3A_46] : memref<10000x128xbf16, #tpu.memory_space<hbm>> -> memref<10000x128xbf16, #tpu.memory_space<hbm>>
    tpu.wait_indirect_dma semaphore(%arg12 : memref<!tpu.dma_semaphore, #tpu.memory_space<semaphore_mem>>) src(%dma_wait3A_47 : memref<10000x128xbf16, #tpu.memory_space<hbm>>) dst(%arg8 : memref<128x128xbf16, #tpu.memory_space<vmem>>)
    "tpu.region"() ({
      %run_scoped3A_74 = tpu.sem_alloc : memref<!tpu.dma_semaphore, #tpu.memory_space<semaphore_mem>>
      %dma_start3A_75 = arith.constant 9728 : i32
      %dma_start3A_76 = tpu.memref_slice %arg7[%dma_start3A_75] : memref<10000xi32, #tpu.memory_space<vmem>> -> memref<128xi32, #tpu.memory_space<vmem>>
      %dma_start3A_77 = arith.constant 0 : i32
      %dma_start3A_78 = arith.constant 0 : i32
      %dma_start3A_79 = tpu.memref_slice %arg5[%dma_start3A_77, %dma_start3A_78] : memref<10000x128xbf16, #tpu.memory_space<vmem_shared>> -> memref<10000x128xbf16, #tpu.memory_space<vmem_shared>>
      tpu.enqueue_indirect_dma source(%arg8 : memref<128x128xbf16, #tpu.memory_space<vmem>>) target(%dma_start3A_79 : memref<10000x128xbf16, #tpu.memory_space<vmem_shared>>) offsets(%dma_start3A_76 : memref<128xi32, #tpu.memory_space<vmem>>) semaphore(%run_scoped3A_74 : memref<!tpu.dma_semaphore, #tpu.memory_space<semaphore_mem>>) {add = true}
      %dma_wait3A_80 = arith.constant 9728 : i32
      %dma_wait3A_81 = tpu.memref_slice %arg7[%dma_wait3A_80] : memref<10000xi32, #tpu.memory_space<vmem>> -> memref<128xi32, #tpu.memory_space<vmem>>
      %dma_wait3A_82 = arith.constant 0 : i32
      %dma_wait3A_83 = arith.constant 0 : i32
      %dma_wait3A_84 = tpu.memref_slice %arg5[%dma_wait3A_82, %dma_wait3A_83] : memref<10000x128xbf16, #tpu.memory_space<vmem_shared>> -> memref<10000x128xbf16, #tpu.memory_space<vmem_shared>>
      tpu.wait_indirect_dma semaphore(%run_scoped3A_74 : memref<!tpu.dma_semaphore, #tpu.memory_space<semaphore_mem>>) src(%arg8 : memref<128x128xbf16, #tpu.memory_space<vmem>>) dst(%dma_wait3A_84 : memref<10000x128xbf16, #tpu.memory_space<vmem_shared>>)
      tpu.yield
    }) : () -> ()
    %dma_wait3A_48 = arith.constant 9856 : i32
    %dma_wait3A_49 = tpu.memref_slice %arg6[%dma_wait3A_48] : memref<10000xi32, #tpu.memory_space<vmem>> -> memref<128xi32, #tpu.memory_space<vmem>>
    %dma_wait3A_50 = arith.constant 0 : i32
    %dma_wait3A_51 = arith.constant 0 : i32
    %dma_wait3A_52 = tpu.memref_slice %arg3[%dma_wait3A_50, %dma_wait3A_51] : memref<10000x128xbf16, #tpu.memory_space<hbm>> -> memref<10000x128xbf16, #tpu.memory_space<hbm>>
    tpu.wait_indirect_dma semaphore(%arg13 : memref<!tpu.dma_semaphore, #tpu.memory_space<semaphore_mem>>) src(%dma_wait3A_52 : memref<10000x128xbf16, #tpu.memory_space<hbm>>) dst(%arg9 : memref<128x128xbf16, #tpu.memory_space<vmem>>)
    "tpu.region"() ({
      %run_scoped3A_74 = tpu.sem_alloc : memref<!tpu.dma_semaphore, #tpu.memory_space<semaphore_mem>>
      %dma_start3A_75 = arith.constant 9856 : i32
      %dma_start3A_76 = tpu.memref_slice %arg7[%dma_start3A_75] : memref<10000xi32, #tpu.memory_space<vmem>> -> memref<128xi32, #tpu.memory_space<vmem>>
      %dma_start3A_77 = arith.constant 0 : i32
      %dma_start3A_78 = arith.constant 0 : i32
      %dma_start3A_79 = tpu.memref_slice %arg5[%dma_start3A_77, %dma_start3A_78] : memref<10000x128xbf16, #tpu.memory_space<vmem_shared>> -> memref<10000x128xbf16, #tpu.memory_space<vmem_shared>>
      tpu.enqueue_indirect_dma source(%arg9 : memref<128x128xbf16, #tpu.memory_space<vmem>>) target(%dma_start3A_79 : memref<10000x128xbf16, #tpu.memory_space<vmem_shared>>) offsets(%dma_start3A_76 : memref<128xi32, #tpu.memory_space<vmem>>) semaphore(%run_scoped3A_74 : memref<!tpu.dma_semaphore, #tpu.memory_space<semaphore_mem>>) {add = true}
      %dma_wait3A_80 = arith.constant 9856 : i32
      %dma_wait3A_81 = tpu.memref_slice %arg7[%dma_wait3A_80] : memref<10000xi32, #tpu.memory_space<vmem>> -> memref<128xi32, #tpu.memory_space<vmem>>
      %dma_wait3A_82 = arith.constant 0 : i32
      %dma_wait3A_83 = arith.constant 0 : i32
      %dma_wait3A_84 = tpu.memref_slice %arg5[%dma_wait3A_82, %dma_wait3A_83] : memref<10000x128xbf16, #tpu.memory_space<vmem_shared>> -> memref<10000x128xbf16, #tpu.memory_space<vmem_shared>>
      tpu.wait_indirect_dma semaphore(%run_scoped3A_74 : memref<!tpu.dma_semaphore, #tpu.memory_space<semaphore_mem>>) src(%arg9 : memref<128x128xbf16, #tpu.memory_space<vmem>>) dst(%dma_wait3A_84 : memref<10000x128xbf16, #tpu.memory_space<vmem_shared>>)
      tpu.yield
    }) : () -> ()
    %dma_start3A_53 = arith.constant 0 : i32
    %dma_start3A_54 = arith.constant 0 : i32
    %dma_start3A_55 = tpu.memref_slice %arg8[%dma_start3A_53, %dma_start3A_54] : memref<128x128xbf16, #tpu.memory_space<vmem>> -> memref<16x128xbf16, #tpu.memory_space<vmem>>
    %dma_start3A_56 = arith.constant 9984 : i32
    %dma_start3A_57 = tpu.memref_slice %arg6[%dma_start3A_56] : memref<10000xi32, #tpu.memory_space<vmem>> -> memref<16xi32, #tpu.memory_space<vmem>>
    %dma_start3A_58 = arith.constant 0 : i32
    %dma_start3A_59 = arith.constant 0 : i32
    %dma_start3A_60 = tpu.memref_slice %arg3[%dma_start3A_58, %dma_start3A_59] : memref<10000x128xbf16, #tpu.memory_space<hbm>> -> memref<10000x128xbf16, #tpu.memory_space<hbm>>
    tpu.enqueue_indirect_dma source(%dma_start3A_60 : memref<10000x128xbf16, #tpu.memory_space<hbm>>) target(%dma_start3A_55 : memref<16x128xbf16, #tpu.memory_space<vmem>>) offsets(%dma_start3A_57 : memref<16xi32, #tpu.memory_space<vmem>>) semaphore(%arg12 : memref<!tpu.dma_semaphore, #tpu.memory_space<semaphore_mem>>)
    %dma_wait3A_61 = arith.constant 0 : i32
    %dma_wait3A_62 = arith.constant 0 : i32
    %dma_wait3A_63 = tpu.memref_slice %arg8[%dma_wait3A_61, %dma_wait3A_62] : memref<128x128xbf16, #tpu.memory_space<vmem>> -> memref<16x128xbf16, #tpu.memory_space<vmem>>
    %dma_wait3A_64 = arith.constant 9984 : i32
    %dma_wait3A_65 = tpu.memref_slice %arg6[%dma_wait3A_64] : memref<10000xi32, #tpu.memory_space<vmem>> -> memref<16xi32, #tpu.memory_space<vmem>>
    %dma_wait3A_66 = arith.constant 0 : i32
    %dma_wait3A_67 = arith.constant 0 : i32
    %dma_wait3A_68 = tpu.memref_slice %arg3[%dma_wait3A_66, %dma_wait3A_67] : memref<10000x128xbf16, #tpu.memory_space<hbm>> -> memref<10000x128xbf16, #tpu.memory_space<hbm>>
    tpu.wait_indirect_dma semaphore(%arg12 : memref<!tpu.dma_semaphore, #tpu.memory_space<semaphore_mem>>) src(%dma_wait3A_68 : memref<10000x128xbf16, #tpu.memory_space<hbm>>) dst(%dma_wait3A_63 : memref<16x128xbf16, #tpu.memory_space<vmem>>)
    "tpu.region"() ({
      %run_scoped3A_74 = tpu.sem_alloc : memref<!tpu.dma_semaphore, #tpu.memory_space<semaphore_mem>>
      %dma_start3A_75 = arith.constant 0 : i32
      %dma_start3A_76 = arith.constant 0 : i32
      %dma_start3A_77 = tpu.memref_slice %arg8[%dma_start3A_75, %dma_start3A_76] : memref<128x128xbf16, #tpu.memory_space<vmem>> -> memref<16x128xbf16, #tpu.memory_space<vmem>>
      %dma_start3A_78 = arith.constant 9984 : i32
      %dma_start3A_79 = tpu.memref_slice %arg7[%dma_start3A_78] : memref<10000xi32, #tpu.memory_space<vmem>> -> memref<16xi32, #tpu.memory_space<vmem>>
      %dma_start3A_80 = arith.constant 0 : i32
      %dma_start3A_81 = arith.constant 0 : i32
      %dma_start3A_82 = tpu.memref_slice %arg5[%dma_start3A_80, %dma_start3A_81] : memref<10000x128xbf16, #tpu.memory_space<vmem_shared>> -> memref<10000x128xbf16, #tpu.memory_space<vmem_shared>>
      tpu.enqueue_indirect_dma source(%dma_start3A_77 : memref<16x128xbf16, #tpu.memory_space<vmem>>) target(%dma_start3A_82 : memref<10000x128xbf16, #tpu.memory_space<vmem_shared>>) offsets(%dma_start3A_79 : memref<16xi32, #tpu.memory_space<vmem>>) semaphore(%run_scoped3A_74 : memref<!tpu.dma_semaphore, #tpu.memory_space<semaphore_mem>>) {add = true}
      %dma_wait3A_83 = arith.constant 0 : i32
      %dma_wait3A_84 = arith.constant 0 : i32
      %dma_wait3A_85 = tpu.memref_slice %arg8[%dma_wait3A_83, %dma_wait3A_84] : memref<128x128xbf16, #tpu.memory_space<vmem>> -> memref<16x128xbf16, #tpu.memory_space<vmem>>
      %dma_wait3A_86 = arith.constant 9984 : i32
      %dma_wait3A_87 = tpu.memref_slice %arg7[%dma_wait3A_86] : memref<10000xi32, #tpu.memory_space<vmem>> -> memref<16xi32, #tpu.memory_space<vmem>>
      %dma_wait3A_88 = arith.constant 0 : i32
      %dma_wait3A_89 = arith.constant 0 : i32
      %dma_wait3A_90 = tpu.memref_slice %arg5[%dma_wait3A_88, %dma_wait3A_89] : memref<10000x128xbf16, #tpu.memory_space<vmem_shared>> -> memref<10000x128xbf16, #tpu.memory_space<vmem_shared>>
      tpu.wait_indirect_dma semaphore(%run_scoped3A_74 : memref<!tpu.dma_semaphore, #tpu.memory_space<semaphore_mem>>) src(%dma_wait3A_85 : memref<16x128xbf16, #tpu.memory_space<vmem>>) dst(%dma_wait3A_90 : memref<10000x128xbf16, #tpu.memory_space<vmem_shared>>)
      tpu.yield
    }) : () -> ()
    %barrier3A_69 = arith.constant 0 : index
    tpu.barrier barrier_id(%barrier3A_69)
    %mul3A_70 = arith.constant 625 : i32
    %mul3A_71 = arith.muli %arg1, %mul3A_70 : i32
    %mul3A_72 = arith.constant 625 : i32
    %mul3A_73 = arith.muli %arg1, %mul3A_72 : i32
    "tpu.region"() ({
      %run_scoped3A_74 = tpu.sem_alloc : memref<!tpu.dma_semaphore, #tpu.memory_space<semaphore_mem>>
      %dma_start3A_75 = arith.constant 0 : i32
      %dma_start3A_76 = tpu.memref_slice %arg4[%arg0, %mul3A_73, %dma_start3A_75] : memref<2x10000x128xbf16, #tpu.memory_space<hbm>> -> memref<1x625x128xbf16, #tpu.memory_space<hbm>>
      %dma_start3A_77 = tpu.memref_squeeze %dma_start3A_76 : memref<1x625x128xbf16, #tpu.memory_space<hbm>> -> memref<625x128xbf16, #tpu.memory_space<hbm>>
      %dma_start3A_78 = arith.constant 0 : i32
      %dma_start3A_79 = tpu.memref_slice %arg5[%mul3A_71, %dma_start3A_78] : memref<10000x128xbf16, #tpu.memory_space<vmem_shared>> -> memref<625x128xbf16, #tpu.memory_space<vmem_shared>>
      tpu.enqueue_dma source(%dma_start3A_79 : memref<625x128xbf16, #tpu.memory_space<vmem_shared>>) target(%dma_start3A_77 : memref<625x128xbf16, #tpu.memory_space<hbm>>) target_semaphore(%run_scoped3A_74 : memref<!tpu.dma_semaphore, #tpu.memory_space<semaphore_mem>>)
      %dma_wait3A_80 = arith.constant 0 : i32
      %dma_wait3A_81 = tpu.memref_slice %arg4[%arg0, %mul3A_73, %dma_wait3A_80] : memref<2x10000x128xbf16, #tpu.memory_space<hbm>> -> memref<1x625x128xbf16, #tpu.memory_space<hbm>>
      %dma_wait3A_82 = tpu.memref_squeeze %dma_wait3A_81 : memref<1x625x128xbf16, #tpu.memory_space<hbm>> -> memref<625x128xbf16, #tpu.memory_space<hbm>>
      %dma_wait3A_83 = arith.constant 0 : i32
      %dma_wait3A_84 = tpu.memref_slice %arg5[%mul3A_71, %dma_wait3A_83] : memref<10000x128xbf16, #tpu.memory_space<vmem_shared>> -> memref<625x128xbf16, #tpu.memory_space<vmem_shared>>
      tpu.wait_dma2 semaphore(%run_scoped3A_74 : memref<!tpu.dma_semaphore, #tpu.memory_space<semaphore_mem>>) src(%dma_wait3A_84 : memref<625x128xbf16, #tpu.memory_space<vmem_shared>>) dst(%dma_wait3A_82 : memref<625x128xbf16, #tpu.memory_space<hbm>>)
      tpu.yield
    }) : () -> ()
    return
  }
}

module attributes {stable_mosaic.version = 14 : i64} {
  func.func @_mid_body(%arg0: i32, %arg1: memref<2000x128xf32, #tpu.memory_space<vmem>>, %arg2: memref<128x128xf32, #tpu.memory_space<vmem>>, %arg3: memref<2x2000x16xf32, #tpu.memory_space<vmem>>, %arg4: memref<2000x128xf32, #tpu.memory_space<vmem>>) attributes {dimension_semantics = [#tpu.dimension_semantics<arbitrary>], iteration_bounds = array<i64: 5>, scalar_prefetch = 0 : i64, scratch_operands = 0 : i64, tpu.core_type = #tpu.core_type<tc>, window_params = [{transform_indices = @transform_0, window_bounds = array<i64: 2000, 128>}, {pipeline_mode = #tpu.pipeline_mode<synchronous>, transform_indices = @transform_1, window_bounds = array<i64: 128, 128>}, {transform_indices = @transform_2, window_bounds = array<i64: 2, 2000, 16>}, {transform_indices = @transform_3, window_bounds = array<i64: 2000, 128>}]} {
    %get3A = arith.constant 0 : index
    %get3A_0 = arith.constant 0 : index
    %get3A_1 = vector.load %arg1[%get3A, %get3A_0] : memref<2000x128xf32, #tpu.memory_space<vmem>>, vector<2000x128xf32>
    %get3A_2 = arith.constant 0 : index
    %get3A_3 = arith.constant 0 : index
    %get3A_4 = vector.load %arg2[%get3A_2, %get3A_3] : memref<128x128xf32, #tpu.memory_space<vmem>>, vector<128x128xf32>
    %dot_general3A = arith.constant dense<0.000000e+00> : vector<2000x128xf32>
    %dot_general3A_5 = tpu.matmul %get3A_1, %get3A_4, %dot_general3A {dimension_numbers = #tpu.dot_dimension_numbers<[1], [0], [0], [1], [0, 0, 1, 1], [], []>, transpose_lhs_hint = false} : vector<2000x128xf32>, vector<128x128xf32>, vector<2000x128xf32> -> vector<2000x128xf32>
    %get3A_6 = arith.constant 0 : index
    %get3A_7 = arith.constant 0 : index
    %get3A_8 = arith.constant 0 : index
    %get3A_9 = vector.load %arg3[%get3A_6, %get3A_7, %get3A_8] : memref<2x2000x16xf32, #tpu.memory_space<vmem>>, vector<1x2000x1xf32>
    %get3A_10 = vector.shape_cast %get3A_9 : vector<1x2000x1xf32> to vector<2000x1xf32>
    %get3A_11 = arith.constant 1 : index
    %get3A_12 = arith.constant 0 : index
    %get3A_13 = arith.constant 0 : index
    %get3A_14 = vector.load %arg3[%get3A_11, %get3A_12, %get3A_13] : memref<2x2000x16xf32, #tpu.memory_space<vmem>>, vector<1x2000x1xf32>
    %get3A_15 = vector.shape_cast %get3A_14 : vector<1x2000x1xf32> to vector<2000x1xf32>
    %add3A = arith.addf %get3A_10, %get3A_15 : vector<2000x1xf32>
    %add3A_16 = arith.constant 1.000000e+00 : f32
    %add3A_17 = vector.broadcast %add3A_16 : f32 to vector<2000x1xf32>
    %add3A_18 = arith.addf %add3A, %add3A_17 : vector<2000x1xf32>
    %rsqrt3A = math.rsqrt %add3A_18 : vector<2000x1xf32>
    %mul3A = vector.broadcast %rsqrt3A : vector<2000x1xf32> to vector<2000x128xf32>
    %mul3A_19 = arith.mulf %dot_general3A_5, %mul3A : vector<2000x128xf32>
    %swap3A = arith.constant 0 : index
    %swap3A_20 = arith.constant 0 : index
    %swap3A_21 = vector.load %arg4[%swap3A, %swap3A_20] : memref<2000x128xf32, #tpu.memory_space<vmem>>, vector<2000x128xf32>
    tpu.vector_store %arg4[%swap3A, %swap3A_20], %mul3A_19 {strides = array<i32>} : memref<2000x128xf32, #tpu.memory_space<vmem>>, vector<2000x128xf32>,
    return
  }
  func.func @transform_0(%arg0: i32) -> (i32, i32) {
    %c0_i32 = arith.constant 0 : i32
    %c0_i32_0 = arith.constant 0 : i32
    return %arg0, %c0_i32 : i32, i32
  }
  func.func @transform_1(%arg0: i32) -> (i32, i32) {
    %c0_i32 = arith.constant 0 : i32
    %c0_i32_0 = arith.constant 0 : i32
    %c0_i32_1 = arith.constant 0 : i32
    return %c0_i32, %c0_i32_0 : i32, i32
  }
  func.func @transform_2(%arg0: i32) -> (i32, i32, i32) {
    %c0_i32 = arith.constant 0 : i32
    %c0_i32_0 = arith.constant 0 : i32
    %c0_i32_1 = arith.constant 0 : i32
    return %c0_i32, %arg0, %c0_i32_0 : i32, i32, i32
  }
  func.func @transform_3(%arg0: i32) -> (i32, i32) {
    %c0_i32 = arith.constant 0 : i32
    %c0_i32_0 = arith.constant 0 : i32
    return %arg0, %c0_i32 : i32, i32
  }
}

module attributes {stable_mosaic.version = 14 : i64} {
  func.func @_head_body(%arg0: i32, %arg1: memref<2x2000x16xf32, #tpu.memory_space<vmem>>, %arg2: memref<2000x128xf32, #tpu.memory_space<vmem>>, %arg3: memref<2000x128xf32, #tpu.memory_space<vmem>>, %arg4: memref<1x128xf32, #tpu.memory_space<vmem>>, %arg5: memref<1x128xf32, #tpu.memory_space<vmem>>, %arg6: memref<1x1xf32, #tpu.memory_space<vmem>>, %arg7: memref<2000x1xf32, #tpu.memory_space<vmem>>) attributes {dimension_semantics = [#tpu.dimension_semantics<arbitrary>], iteration_bounds = array<i64: 5>, scalar_prefetch = 0 : i64, scratch_operands = 0 : i64, tpu.core_type = #tpu.core_type<tc>, window_params = [{transform_indices = @transform_0, window_bounds = array<i64: 2, 2000, 16>}, {transform_indices = @transform_1, window_bounds = array<i64: 2000, 128>}, {transform_indices = @transform_2, window_bounds = array<i64: 2000, 128>}, {pipeline_mode = #tpu.pipeline_mode<synchronous>, transform_indices = @transform_3, window_bounds = array<i64: 1, 128>}, {pipeline_mode = #tpu.pipeline_mode<synchronous>, transform_indices = @transform_4, window_bounds = array<i64: 1, 128>}, {pipeline_mode = #tpu.pipeline_mode<synchronous>, transform_indices = @transform_5, window_bounds = array<i64: 1, 1>}, {transform_indices = @transform_6, window_bounds = array<i64: 2000, 1>}]} {
    %get3A = arith.constant 0 : index
    %get3A_0 = arith.constant 0 : index
    %get3A_1 = arith.constant 0 : index
    %get3A_2 = vector.load %arg1[%get3A, %get3A_0, %get3A_1] : memref<2x2000x16xf32, #tpu.memory_space<vmem>>, vector<1x2000x1xf32>
    %get3A_3 = vector.shape_cast %get3A_2 : vector<1x2000x1xf32> to vector<2000x1xf32>
    %get3A_4 = arith.constant 1 : index
    %get3A_5 = arith.constant 0 : index
    %get3A_6 = arith.constant 0 : index
    %get3A_7 = vector.load %arg1[%get3A_4, %get3A_5, %get3A_6] : memref<2x2000x16xf32, #tpu.memory_space<vmem>>, vector<1x2000x1xf32>
    %get3A_8 = vector.shape_cast %get3A_7 : vector<1x2000x1xf32> to vector<2000x1xf32>
    %add3A = arith.addf %get3A_3, %get3A_8 : vector<2000x1xf32>
    %add3A_9 = arith.constant 1.000000e+00 : f32
    %add3A_10 = vector.broadcast %add3A_9 : f32 to vector<2000x1xf32>
    %add3A_11 = arith.addf %add3A, %add3A_10 : vector<2000x1xf32>
    %rsqrt3A = math.rsqrt %add3A_11 : vector<2000x1xf32>
    %get3A_12 = arith.constant 0 : index
    %get3A_13 = arith.constant 0 : index
    %get3A_14 = vector.load %arg2[%get3A_12, %get3A_13] : memref<2000x128xf32, #tpu.memory_space<vmem>>, vector<2000x128xf32>
    %get3A_15 = arith.constant 0 : index
    %get3A_16 = arith.constant 0 : index
    %get3A_17 = vector.load %arg3[%get3A_15, %get3A_16] : memref<2000x128xf32, #tpu.memory_space<vmem>>, vector<2000x128xf32>
    %add3A_18 = arith.addf %get3A_14, %get3A_17 : vector<2000x128xf32>
    %mul3A = vector.broadcast %rsqrt3A : vector<2000x1xf32> to vector<2000x128xf32>
    %mul3A_19 = arith.mulf %mul3A, %add3A_18 : vector<2000x128xf32>
    %get3A_20 = arith.constant 0 : index
    %get3A_21 = arith.constant 0 : index
    %get3A_22 = vector.load %arg4[%get3A_20, %get3A_21] : memref<1x128xf32, #tpu.memory_space<vmem>>, vector<1x128xf32>
    %add3A_23 = vector.broadcast %get3A_22 : vector<1x128xf32> to vector<2000x128xf32>
    %add3A_24 = arith.addf %mul3A_19, %add3A_23 : vector<2000x128xf32>
    %max3A = arith.constant 0.000000e+00 : f32
    %max3A_25 = vector.broadcast %max3A : f32 to vector<2000x128xf32>
    %max3A_26 = arith.maximumf %add3A_24, %max3A_25 : vector<2000x128xf32>
    %get3A_27 = arith.constant 0 : index
    %get3A_28 = arith.constant 0 : index
    %get3A_29 = vector.load %arg5[%get3A_27, %get3A_28] : memref<1x128xf32, #tpu.memory_space<vmem>>, vector<1x128xf32>
    %mul3A_30 = vector.broadcast %get3A_29 : vector<1x128xf32> to vector<2000x128xf32>
    %mul3A_31 = arith.mulf %max3A_26, %mul3A_30 : vector<2000x128xf32>
    %reduce_sum3A = arith.constant dense<0.000000e+00> : vector<2000xf32>
    %reduce_sum3A_32 = vector.multi_reduction <add>, %mul3A_31, %reduce_sum3A [1] : vector<2000x128xf32> to vector<2000xf32>
    %broadcast_in_dim3A = vector.shape_cast %reduce_sum3A_32 : vector<2000xf32> to vector<2000x1xf32>
    %get3A_33 = arith.constant 0 : index
    %get3A_34 = arith.constant 0 : index
    %get3A_35 = vector.load %arg6[%get3A_33, %get3A_34] : memref<1x1xf32, #tpu.memory_space<vmem>>, vector<1x1xf32>
    %add3A_36 = vector.broadcast %get3A_35 : vector<1x1xf32> to vector<2000x1xf32>
    %add3A_37 = arith.addf %broadcast_in_dim3A, %add3A_36 : vector<2000x1xf32>
    %swap3A = arith.constant 0 : index
    %swap3A_38 = arith.constant 0 : index
    %swap3A_39 = vector.load %arg7[%swap3A, %swap3A_38] : memref<2000x1xf32, #tpu.memory_space<vmem>>, vector<2000x1xf32>
    tpu.vector_store %arg7[%swap3A, %swap3A_38], %add3A_37 {strides = array<i32>} : memref<2000x1xf32, #tpu.memory_space<vmem>>, vector<2000x1xf32>,
    return
  }
  func.func @transform_0(%arg0: i32) -> (i32, i32, i32) {
    %c0_i32 = arith.constant 0 : i32
    %c0_i32_0 = arith.constant 0 : i32
    %c0_i32_1 = arith.constant 0 : i32
    return %c0_i32, %arg0, %c0_i32_0 : i32, i32, i32
  }
  func.func @transform_1(%arg0: i32) -> (i32, i32) {
    %c0_i32 = arith.constant 0 : i32
    %c0_i32_0 = arith.constant 0 : i32
    return %arg0, %c0_i32 : i32, i32
  }
  func.func @transform_2(%arg0: i32) -> (i32, i32) {
    %c0_i32 = arith.constant 0 : i32
    %c0_i32_0 = arith.constant 0 : i32
    return %arg0, %c0_i32 : i32, i32
  }
  func.func @transform_3(%arg0: i32) -> (i32, i32) {
    %c0_i32 = arith.constant 0 : i32
    %c0_i32_0 = arith.constant 0 : i32
    %c0_i32_1 = arith.constant 0 : i32
    return %c0_i32, %c0_i32_0 : i32, i32
  }
  func.func @transform_4(%arg0: i32) -> (i32, i32) {
    %c0_i32 = arith.constant 0 : i32
    %c0_i32_0 = arith.constant 0 : i32
    %c0_i32_1 = arith.constant 0 : i32
    return %c0_i32, %c0_i32_0 : i32, i32
  }
  func.func @transform_5(%arg0: i32) -> (i32, i32) {
    %c0_i32 = arith.constant 0 : i32
    %c0_i32_0 = arith.constant 0 : i32
    %c0_i32_1 = arith.constant 0 : i32
    return %c0_i32, %c0_i32_0 : i32, i32
  }
  func.func @transform_6(%arg0: i32) -> (i32, i32) {
    %c0_i32 = arith.constant 0 : i32
    %c0_i32_0 = arith.constant 0 : i32
    return %arg0, %c0_i32 : i32, i32
  }
}

</mosaic_0001>

<sc_bundles>
// kernel: kernel.6.cloned.1.call-start
scs
__scs_entry_jumppad:
0x0: {  	(pc) =	sbr.rel $0x88, $3  }
0x1: {  	(tag) =	ssettag $0x0;
	lr =	simm.s32 $0x1  }
0x2: {  	[smem:$0x3F9B] =	sst lr;
	_ =	strace $0xD0000000  }
0x3: {  	_ = 	snop  }
0x4: {  	_ = 	snop  }
0x5: {  	_ = 	snop  }
0x6: {  	_ = 	snop  }
0x7: {  	_ = 	snop  }
__scs_overlays_trampoline_lowered:
0x8: {  	[smem:$0x3FAA] =	sst s0  }
0x9: {  	[smem:$0x3FAB] =	sst s1  }
0xa: {  	[smem:$0x3FAC] =	sst s2  }
0xb: {  	[smem:$0x3FAD] =	sst s3  }
0xc: {  	[smem:$0x3FAE] =	sst s4  }
0xd: {  	[smem:$0x3FAF] =	sst s5  }
0xe: {  	[smem:$0x3FB0] =	sst s6  }
0xf: {  	[smem:$0x3FB1] =	sst s7  }
0x10: {  	[smem:$0x3FB2] =	sst s8  }
0x11: {  	[smem:$0x3FB3] =	sst s9;
	s0 =	simm.s32 @!p0 $0x0  }
0x12: {  	s1 =	sld [smem:$0x3F99];
	s0 =	simm.s32 @p0 $0x1  }
0x13: {  	[smem:$0x3FB4] =	sst s0;
	s0 =	simm.s32 @!p1 $0x0  }
0x14: {  	s2 =	sld [smem:$0x3F98];
	s0 =	simm.s32 @p1 $0x1  }
0x15: {  	[smem:$0x3FB5] =	sst s0;
	s0 =	simm.s32 @!p2 $0x0  }
0x16: {  	s3 =	sld [smem:$0x3FDB];
	s0 =	simm.s32 @p2 $0x1  }
0x17: {  	s4 =	simm.s32 $0x1BF5;
	[smem:$0x3FB7] =	sst s0  }
0x18: {  	s0 =	sld [smem:$0x3F9A];
	_ =	swait.ge [sflag:s4], $0x0  }
0x19: {  	s7 =	sld [smem:$0x3F9B]  }
0x1a: {  	s8 =	sadd.s32 $0xFFFFE003, lr  }
0x1b: {  	s9 =	sadd.s32 $0xFFFFFEF7, lr;
	s5 =	simm.s32 $0xFFFFFFFF;
	p2 =	slt.u32 s8, $0xFFFFF086  }
0x1c: {  	p1 =	slt.u32 s9, $0xF7A;
	s5 =	simm.s32 @!p2 $0x0  }
0x1d: {  	s5 =	simm.s32 @p1 $0x1;
	p0 =	seq.s32 s7, s2  }
0x1e: {  	s7 =	smul.u32 @!p0 $0xF7A, s2;
	p2 =	seq.s32 @!p0 s5, $0x0  }
0x1f: {  	s9 =	smul.u32 $0xF7A, s1;
	s8 =	simm.s32 @!p0 $0x1BF5;
	p2 =	por !p2, p0  }
0x20: {  	[sflag:s8] =	ssyncset.s32 @!p0 $0xFFFFF086;
	s6 =	sadd.s32 @!p0 s3, s7;
	s7 =	simm.s32 @!p0 $0x108  }
0x21: {  	s3 =	sadd.s32 s3, s9;
	s6 =	sadd.s32 @!p0 $0x88, s6;
	s7 =	simm.s32 @p2 $0x1082  }
0x22: {  	[simem:s7], [sflag:s8] =	dma.local @!p0 [hbm:s6], $0xF7A  }
0x23: {  	s9 =	sor.u32 $0xD0000000, s2;
	s6 =	simm.s32 $0x108;
	_ =	swait.ge @!p0 [sflag:s8], $0x0  }
0x24: {  	s3 =	sadd.s32 $0x88, s3;
	s6 =	simm.s32 @!p1 $0x1082;
	[sflag:s4] =	ssyncset.s32 $0xFFFFF086  }
0x25: {  	[simem:s6], [sflag:s4] =	dma.local [hbm:s3], $0xF7A  }
0x26: {  	[smem:$0x3F9B] =	sst s1;
	(tag) =	ssettag s2;
	_ =	strace s9  }
0x27: {  	s1 =	sld [smem:$0x3FAB]  }
0x28: {  	s2 =	sld [smem:$0x3FAC]  }
0x29: {  	s4 =	sld [smem:$0x3FAE]  }
0x2a: {  	p0 =	seq.s32 s5, $0x0;
	s5 =	sld [smem:$0x3FAF]  }
0x2b: {  	s6 =	sld [smem:$0x3FB0]  }
0x2c: {  	s7 =	sld [smem:$0x3FB1]  }
0x2d: {  	s3 =	simm.s32 $0x108;
	s8 =	sld [smem:$0x3FB2]  }
0x2e: {  	s3 =	simm.s32 @!p0 $0x1082;
	s9 =	sld [smem:$0x3FB3]  }
0x2f: {  	lr =	sadd.s32 s0, s3;
	s0 =	sld [smem:$0x3FAA]  }
0x30: {  	s3 =	sld [smem:$0x3FAD]  }
0x31: {  	[smem:$0x3FB6] =	sst s10  }
0x32: {  	s10 =	sld [smem:$0x3FB4];
	_ =	sdelay $0x3  }
0x33: {  	p0 =	seq.s32 s10, $0x1;
	s10 =	sld [smem:$0x3FB6];
	_ =	sdelay $0x3  }
0x34: {  	[smem:$0x3FB6] =	sst s10  }
0x35: {  	s10 =	sld [smem:$0x3FB5];
	_ =	sdelay $0x3  }
0x36: {  	p1 =	seq.s32 s10, $0x1;
	s10 =	sld [smem:$0x3FB6];
	_ =	sdelay $0x3  }
0x37: {  	[smem:$0x3FB6] =	sst s10  }
0x38: {  	s10 =	sld [smem:$0x3FB7]  }
0x39: {  	_ = 	snop;
	(pc) =	sbr.ind lr, $3  }
0x3a: {  	_ = 	snop  }
0x3b: {  	_ = 	snop  }
0x3c: {  	p2 =	seq.s32 s10, $0x1;
	s10 =	sld [smem:$0x3FB6]  }
0x3d: {  	_ =	shalt  }
0x3e: {  	_ =	shalt  }
0x3f: {  	_ =	shalt  }
0x40: {  	_ =	shalt  }
0x41: {  	_ =	shalt  }
0x42: {  	_ =	shalt  }
0x43: {  	_ =	shalt  }
0x44: {  	_ =	shalt  }
0x45: {  	_ =	shalt  }
0x46: {  	_ =	shalt  }
0x47: {  	_ =	shalt  }
0x48: {  	_ =	shalt  }
0x49: {  	_ =	shalt  }
0x4a: {  	_ =	shalt  }
0x4b: {  	_ =	shalt  }
0x4c: {  	_ =	shalt  }
0x4d: {  	_ =	shalt  }
0x4e: {  	_ =	shalt  }
0x4f: {  	_ =	shalt  }
0x50: {  	_ =	shalt  }
0x51: {  	_ =	shalt  }
0x52: {  	_ =	shalt  }
0x53: {  	_ =	shalt  }
0x54: {  	_ =	shalt  }
0x55: {  	_ =	shalt  }
0x56: {  	_ =	shalt  }
0x57: {  	_ =	shalt  }
0x58: {  	_ =	shalt  }
0x59: {  	_ =	shalt  }
0x5a: {  	_ =	shalt  }
0x5b: {  	_ =	shalt  }
0x5c: {  	_ =	shalt  }
0x5d: {  	_ =	shalt  }
0x5e: {  	_ =	shalt  }
0x5f: {  	_ =	shalt  }
0x60: {  	_ =	shalt  }
0x61: {  	_ =	shalt  }
0x62: {  	_ =	shalt  }
0x63: {  	_ =	shalt  }
0x64: {  	_ =	shalt  }
0x65: {  	_ =	shalt  }
0x66: {  	_ =	shalt  }
0x67: {  	_ =	shalt  }
0x68: {  	_ =	shalt  }
0x69: {  	_ =	shalt  }
0x6a: {  	_ =	shalt  }
0x6b: {  	_ =	shalt  }
0x6c: {  	_ =	shalt  }
0x6d: {  	_ =	shalt  }
0x6e: {  	_ =	shalt  }
0x6f: {  	_ =	shalt  }
0x70: {  	_ =	shalt  }
0x71: {  	_ =	shalt  }
0x72: {  	_ =	shalt  }
0x73: {  	_ =	shalt  }
0x74: {  	_ =	shalt  }
0x75: {  	_ =	shalt  }
0x76: {  	_ =	shalt  }
0x77: {  	_ =	shalt  }
0x78: {  	_ =	shalt  }
0x79: {  	_ =	shalt  }
0x7a: {  	_ =	shalt  }
0x7b: {  	_ =	shalt  }
0x7c: {  	_ =	shalt  }
0x7d: {  	_ =	shalt  }
0x7e: {  	_ =	shalt  }
0x7f: {  	_ =	shalt  }
0x80: {  	_ =	shalt  }
0x81: {  	_ =	shalt  }
0x82: {  	_ =	shalt  }
0x83: {  	_ =	shalt  }
0x84: {  	_ =	shalt  }
0x85: {  	_ =	shalt  }
0x86: {  	_ =	shalt  }
0x87: {  	_ =	shalt  }
.Lfunc_end0:
.L_simem_size_0:
called_computation_lowered:
.L_overlay_start_0:
0x88: {  	s2 =	sld [smem:$0x3FD9]  }
0x89: {  	s3 =	sld [smem:$0x3FFE];
	_ =	sdelay $0x1  }
0x8a: {  	s1 =	srdreg.scid  }
0x8b: {  	s0 =	sand.u32 $0x1, s1  }
0x8c: {  	s16 =	sshll.u32 s0, $0xA;
	s2 =	sadd.s32 s3, s2  }
0x8d: {  	s2 =	sadd.s32 s2, s16  }
0x8e: {  	[smem:$0x3FC2] =	sst s2  }
0x8f: {  	_ = 	snop  }
0x90: {  	(tm) =	ssettm $0x1  }
0x91: {  	s17 =	sld [smem:$0x3FFB];
	_ =	sdelay $0x3  }
0x92: {  	_ =	strace s17  }
0x93: {  	s2 =	sld [smem:$0x3FFC];
	_ =	sdelay $0x3  }
0x94: {  	_ =	strace s2  }
0x95: {  	s2 =	sld [smem:$0x3FFD];
	_ =	sdelay $0x3  }
0x96: {  	_ =	strace s2  }
0x97: {  	_ =	strace $0x8FFFFFFF  }
0x98: {  	s18 =	sld [smem:$0x3FDB];
	_ =	sdelay $0x1  }
0x99: {  	s19 =	simm.s32 $_scs_section_size  }
0x9a: {  	s4 =	simm.s32 $_size__tile_overlayer_lowered;
	s5 =	simm.s32 $_tile_overlayer_lowered  }
0x9b: {  	s22 =	simm.s32 $0x1BFF;
	s21 =	sshll.u32 s5, $0x1;
	s2 =	sadd.s32 s19, s18  }
0x9c: {  	s6 =	simm.s32 $0x0;
	s20 =	sshll.u32 s4, $0x1;
	s4 =	sadd.s32 s21, s2  }
0x9d: {  	[timem:s6], [sflag:s22] =	dma.local [hbm:s4], s20  }
0x9e: {  	_ =	swait.ge [sflag:s22], s20  }
0x9f: {  	s3 =	ssub.s32 $0x0, s20;
	[sflag:s22] =	ssyncset.done $0x0  }
0xa0: {  	[sflag:s22] =	ssyncadd.s32 s3;
	_ =	sdelay $0x1  }
0xa1: {  	s23 =	simm.s32 $0x1B8B  }
0xa2: {  	_ =	swait.ge [sflag:s23], $0x1  }
0xa3: {  	[sflag:s23] =	ssyncset.done $0x0  }
0xa4: {  	s25 =	simm.s32 $0x1B8E;
	s24 =	sld [smem:$0x3FFE];
	[sflag:s23] =	ssyncadd.s32 $0xFFFFFFFF  }
0xa5: {  	s26 =	simm.s32 $execute0_lowered;
	[smem:$0x3FD2] =	sst s25  }
0xa6: {  	s4 =	sshll.u32 s26, $0x1;
	_ =	strace $0x80000046;
	[dreg:$0x1] =	wrdreg $0xFFFFFFFF  }
0xa7: {  	s28 =	simm.s32 $_size_execute0_lowered;
	s2 =	sadd.s32 s2, s4;
	[dreg:$0x0] =	wrdreg $0x0  }
0xa8: {  	s4 =	sshll.u32 s28, $0x1;
	[dreg:$0x2] =	wrdreg s2  }
0xa9: {  	[dreg:$0x3] =	wrdreg s4  }
0xaa: {  	[dreg:$0x4] =	wrdreg $0xC0  }
0xab: {  	_ =	task [dreg:s6], $0x5FFFF  }
0xac: {  	[dreg:$0x1] =	wrdreg $0xFFFFFFFF  }
0xad: {  	[dreg:$0x0] =	wrdreg $0x60  }
0xae: {  	[dreg:$0x2] =	wrdreg s24  }
0xaf: {  	[dreg:$0x3] =	wrdreg $0x0  }
0xb0: {  	[dreg:$0x4] =	wrdreg $0x9  }
0xb1: {  	_ =	task.clear_ibuf [dreg:s6], $0x5FFFF;
	_ =	strace $0x90000046  }
0xb2: {  	s29 =	simm.s32 $0x9;
	_ =	strace $0x80000048  }
0xb3: {  	_ =	swait.ge [sflag:s29], $0x1  }
0xb4: {  	[sflag:s29] =	ssyncadd.s32 $0xFFFFFFFF  }
0xb5: {  	_ =	strace $0x90000048  }
0xb6: {  	_ =	sfence  }
0xb7: {  	s30 =	sld [smem:$0x0];
	_ =	sdelay $0x2  }
0xb8: {  	s31 =	sshll.u32 s1, $0xD;
	s1 =	sshrl.u32 s1, $0x2  }
0xb9: {  	s3 =	sand.u32 $0x4000, s31;
	s1 =	sadd.s32 s1, s30  }
0xba: {  	s0 =	sor.u32 s3, s0;
	s1 =	sshll.u32 s1, $0x11  }
0xbb: {  	s0 =	sor.u32 s1, s0  }
0xbc: {  	s0 =	sadd.s32 $0x8F2B, s0  }
0xbd: {  	[sflag:s0] =	ssyncadd.remote.s32 $0x1  }
0xbe: {  	_ =	sfence.sel $0xFFFF  }
0xbf: {  	[dreg:$0x0] =	wrdreg $0xFFFFFFFF;
	(pc) =	sbr.abs _section_cstart, $3  }
0xc0: {  	[dreg:$0x1] =	wrdreg $0xFFFFFFFF  }
0xc1: {  	_ =	task.clear_ibuf [dreg:s6], $0x2FFFF;
	_ =	strace $0x9FFFFFFF  }
0xc2: {  	(tm) =	ssettm $0x7FFFFFFF  }
0xc3: {  	_ =	shalt  }
tec
execute0_lowered:
.L_overlay_start_1:
0x0: {  	(tag) =	ssettag $0x1  }
0x1: {  	s4 =	rddreg [dreg:$0x0]  }
0x2: {  	s0 =	srdreg.scid;
	s2 =	rddreg [dreg:$0x1]  }
0x3: {  	s1 =	stileid.u32;
	s3 =	simm.s32 $0x0;
	s10 =	simm.s32 $0x2710  }
0x4: {  	s11 =	simm.s32 $0x80;
	s12 =	simm.s32 $0x4E20;
	s13 =	simm.s32 $0x10  }
0x5: {  	s14 =	simm.s32 $0x4E10;
	s5 =	sand.u32 $0x1, s0;
	s0 =	rddreg [dreg:$0x2]  }
0x6: {  	s6 =	smul.u32 $0x2710, s1;
	[smem:$0x7FF] =	sst s3;
	s7 =	sshll.u32 s5, $0x4  }
0x7: {  	s15 =	sshll.u32 s1, $0x6;
	s8 =	smul.u32 $0x27100, s5;
	s7 =	sor.u32 s1, s7  }
0x8: {  	_ =	strace $0x80000047;
	s5 =	ssub.s32 $0x2, s5;
	s7 =	smul.u32 $0x2710, s7  }
0x9: {  	s15 =	sor.u32 $0x1C01, s15;
	s9 =	sshrl.u32 s5, $0x1;
	s8 =	sadd.s32 s6, s8  }
0xa: {  	s9 =	ssub.s32 s5, s9;
	s8 =	sshrl.u32 s8, $0x3;
	s7 =	sshrl.u32 s7, $0x3  }
0xb: {  	s8 =	sadd.s32 s8, s4;
	s7 =	sadd.s32 s4, s7;
	s4 =	sadd.s32 s6, s2  }
0xc: {  	s6 =	sadd.s32 $0x14E00, s8;
	s8 =	simm.s32 $0x5620;
	s5 =	sadd.s32 $0xB040, s7  }
0xd: {  	v0 =	vimm.f32 $0.0e+00;
	v1 =	vimm.f32 $1.000000000e+00;
	s7 =	smax.u32 s9, $0x1;
	s9 =	simm.s32 $0x1;
	s16 =	sshrl.u32 s4, $0x3  }
.LBB2_1:
0xe: {  	s17 =	simm.s32 $0x0  }
.LBB2_2:
0xf: {  	p0 =	sne.s32 s17, $0x9C00  }
.Ltmp0:
0x10: {  	_ = 	snop;
	(pc) =	sbr.rel @p0 .LBB2_2-.Ltmp0, $3  }
0x11: {  	_ =	sdelay $0x1  }
0x12: {  	s18 =	sshra.s32 s17, $0x2  }
0x13: {  	s17 =	sadd.s32 $0x40, s17;
	[tilespmem:s18+$0x5620] =	vst v0  }
0x14: {  	s17 =	simm.s32 $0x40;
	s18 =	simm.s32 $0x0  }
.LBB2_4:
0x15: {  	p0 =	sne.s32 s17, $0x1FC0;
	[tilespmem:s18+$0x4E20] =	vst v1;
	s18 =	smov.u32 s17;
	s17 =	sadd.s32 $0x40, s17  }
.Ltmp1:
0x16: {  	(pc) =	sbr.rel @p0 .LBB2_4-.Ltmp1, $2  }
0x17: {  	_ =	sdelay $0x2  }
0x18: {  	s18 =	sshra.s32 s18, $0x2  }
0x19: {  	[tilespmem:s18+$0x4E20] =	vst v1  }
0x1a: {  	[spmem:s4] =	stream.linear.scatter [tilespmem:s8], [sflag:$0x1], $0x2710, $0x38;
	[tilespmem:$0x7D30] =	vst v63  }
0x1b: {  	_ =	swait.ge [sflag:s9], $0x2710  }
0x1c: {  	[sflag:s9] =	ssyncset.done $0x0  }
0x1d: {  	[sflag:s9] =	ssyncadd.s32 $0xFFFFD8F0  }
0x1e: {  	s17 =	simm.s32 $0x0;
	[bflag:$0x0] =	sbarrier.arrive $0xFFFF  }
0x1f: {  	[tilespmem:s10], [sflag:$0x1] =	stream.linear.gather [hbm4b:s5+s17], $0x2710, $0x38;
	[tilespmem:$0x7D30] =	vst v63  }
0x20: {  	_ =	swait.ge [sflag:s9], $0x2710  }
0x21: {  	[sflag:s9] =	ssyncset.done $0x0  }
0x22: {  	s31 =	simm.s32 $0x2710;
	[sflag:s9] =	ssyncadd.s32 $0xFFFFD8F0  }
0x23: {  	[spmem:s2] =	stream.indirect.scatter.add.f32 [tilespmem:s12], [sflag:$0x1], $0x10, s31, s11, $0xb8;
	[tilespmem:$0x7D30] =	vst v63  }
0x24: {  	s17 =	simm.s32 $0x200;
	_ =	swait.ge [sflag:s9], $0x800  }
.LBB2_6:
0x25: {  	s18 =	sshra.s32 s17, $0x2;
	[sflag:s9] =	ssyncset.done $0x0;
	p0 =	sne.s32 s17, $0x9A00  }
.Ltmp2:
0x26: {  	s18 =	sadd.s32 $0x2710, s18;
	[sflag:s9] =	ssyncadd.s32 $0xFFFFF800;
	(pc) =	sbr.rel @p0 .LBB2_6-.Ltmp2, $3  }
0x27: {  	[spmem:s2] =	stream.indirect.scatter.add.f32 [tilespmem:s12], [sflag:$0x1], $0x10, s18, s11, $0xb8;
	[tilespmem:$0x7D30] =	vst v63  }
0x28: {  	s17 =	sadd.s32 $0x200, s17;
	_ =	sdelay $0x1  }
0x29: {  	_ =	swait.ge [sflag:s9], $0x800  }
0x2a: {  	[sflag:s9] =	ssyncset.done $0x0  }
0x2b: {  	[sflag:s9] =	ssyncadd.s32 $0xFFFFF800  }
0x2c: {  	[spmem:s2] =	stream.indirect.scatter.add.f32 [tilespmem:s12], [sflag:$0x1], $0x10, s14, s13, $0xb8;
	[tilespmem:$0x7D30] =	vst v63  }
0x2d: {  	_ =	swait.ge [sflag:s9], $0x100  }
0x2e: {  	s3 =	sadd.s32 $0x1, s3;
	[sflag:s9] =	ssyncset.done $0x0  }
0x2f: {  	p0 =	sne.s32 s3, s7;
	[sflag:s9] =	ssyncadd.s32 $0xFFFFFF00  }
.Ltmp3:
0x30: {  	[bflag:$0x0] =	sbarrier.arrive $0xFFFF;
	(pc) =	sbr.rel @p0 .LBB2_1-.Ltmp3, $4  }
0x31: {  	[hbm:s6], [sflag:s15] =	dma.local [spmem:s16], $0x4E2  }
0x32: {  	_ =	swait.ge [sflag:s9], $0x4E2  }
0x33: {  	[sflag:s9] =	ssyncset.done $0x0  }
0x34: {  	[sflag:s9] =	ssyncadd.s32 $0xFFFFFB1E  }
0x35: {  	_ =	sfence.sel $0x180000  }
0x36: {  	[bflag:$0x0] =	sbarrier.arrive $0xFFFF  }
0x37: {  	p0 =	sne.s32 s1, $0x0;
	_ =	strace $0x90000047  }
0x38: {  	s0 =	sadd.s32 @!p0 $0x100000, s0;
	[bflag:$0x2] =	sbarrier.arrive $0xFFFF  }
0x39: {  	[sflag:s0] =	ssyncadd.tile.s32 @!p0 $0x1;
	_ =	shalt  }
.Lfunc_end2:
_tile_overlayer_lowered:
.L_overlay_start_2:
0x3a: {  	(tag) =	ssettag $0x2  }
0x3b: {  	s0 =	rddreg [dreg:$0x0];
	s2 =	stileid.u32  }
0x3c: {  	s1 =	rddreg [dreg:$0x1];
	p0 =	sne.s32 s2, $0x0  }
0x3d: {  	s3 =	rddreg [dreg:$0x2];
	[bflag:$0x3] =	sbarrier.arrive $0xFFFF;
	s2 =	simm.s32 @!p0 $0x1C01  }
0x3e: {  	[timem:s3], [sflag:s2] =	dma.local @!p0 [hbm:s0], s1  }
0x3f: {  	s0 =	simm.s32 @!p0 $0x1  }
0x40: {  	_ =	swait.ge @!p0 [sflag:s0], s1  }
0x41: {  	s1 =	ssub.s32 @!p0 $0x0, s1;
	[sflag:s0] =	ssyncset.done @!p0 $0x0  }
0x42: {  	[sflag:s0] =	ssyncadd.s32 @!p0 s1  }
0x43: {  	[bflag:$0x3] =	sbarrier.arrive $0xFFFF  }
0x44: {  	_ =	shalt  }

// kernel: kernel.9.cloned.1.call-start
scs
__scs_entry_jumppad:
0x0: {  	(pc) =	sbr.rel $0x88, $3  }
0x1: {  	(tag) =	ssettag $0x0;
	lr =	simm.s32 $0x1  }
0x2: {  	[smem:$0x3F9B] =	sst lr;
	_ =	strace $0xD0000000  }
0x3: {  	_ = 	snop  }
0x4: {  	_ = 	snop  }
0x5: {  	_ = 	snop  }
0x6: {  	_ = 	snop  }
0x7: {  	_ = 	snop  }
__scs_overlays_trampoline_lowered:
0x8: {  	[smem:$0x3FAA] =	sst s0  }
0x9: {  	[smem:$0x3FAB] =	sst s1  }
0xa: {  	[smem:$0x3FAC] =	sst s2  }
0xb: {  	[smem:$0x3FAD] =	sst s3  }
0xc: {  	[smem:$0x3FAE] =	sst s4  }
0xd: {  	[smem:$0x3FAF] =	sst s5  }
0xe: {  	[smem:$0x3FB0] =	sst s6  }
0xf: {  	[smem:$0x3FB1] =	sst s7  }
0x10: {  	[smem:$0x3FB2] =	sst s8  }
0x11: {  	[smem:$0x3FB3] =	sst s9;
	s0 =	simm.s32 @!p0 $0x0  }
0x12: {  	s1 =	sld [smem:$0x3F99];
	s0 =	simm.s32 @p0 $0x1  }
0x13: {  	[smem:$0x3FB4] =	sst s0;
	s0 =	simm.s32 @!p1 $0x0  }
0x14: {  	s2 =	sld [smem:$0x3F98];
	s0 =	simm.s32 @p1 $0x1  }
0x15: {  	[smem:$0x3FB5] =	sst s0;
	s0 =	simm.s32 @!p2 $0x0  }
0x16: {  	s3 =	sld [smem:$0x3FDB];
	s0 =	simm.s32 @p2 $0x1  }
0x17: {  	s4 =	simm.s32 $0x1BF5;
	[smem:$0x3FB7] =	sst s0  }
0x18: {  	s0 =	sld [smem:$0x3F9A];
	_ =	swait.ge [sflag:s4], $0x0  }
0x19: {  	s7 =	sld [smem:$0x3F9B]  }
0x1a: {  	s8 =	sadd.s32 $0xFFFFE003, lr  }
0x1b: {  	s9 =	sadd.s32 $0xFFFFFEF7, lr;
	s5 =	simm.s32 $0xFFFFFFFF;
	p2 =	slt.u32 s8, $0xFFFFF086  }
0x1c: {  	p1 =	slt.u32 s9, $0xF7A;
	s5 =	simm.s32 @!p2 $0x0  }
0x1d: {  	s5 =	simm.s32 @p1 $0x1;
	p0 =	seq.s32 s7, s2  }
0x1e: {  	s7 =	smul.u32 @!p0 $0xF7A, s2;
	p2 =	seq.s32 @!p0 s5, $0x0  }
0x1f: {  	s9 =	smul.u32 $0xF7A, s1;
	s8 =	simm.s32 @!p0 $0x1BF5;
	p2 =	por !p2, p0  }
0x20: {  	[sflag:s8] =	ssyncset.s32 @!p0 $0xFFFFF086;
	s6 =	sadd.s32 @!p0 s3, s7;
	s7 =	simm.s32 @!p0 $0x108  }
0x21: {  	s3 =	sadd.s32 s3, s9;
	s6 =	sadd.s32 @!p0 $0x88, s6;
	s7 =	simm.s32 @p2 $0x1082  }
0x22: {  	[simem:s7], [sflag:s8] =	dma.local @!p0 [hbm:s6], $0xF7A  }
0x23: {  	s9 =	sor.u32 $0xD0000000, s2;
	s6 =	simm.s32 $0x108;
	_ =	swait.ge @!p0 [sflag:s8], $0x0  }
0x24: {  	s3 =	sadd.s32 $0x88, s3;
	s6 =	simm.s32 @!p1 $0x1082;
	[sflag:s4] =	ssyncset.s32 $0xFFFFF086  }
0x25: {  	[simem:s6], [sflag:s4] =	dma.local [hbm:s3], $0xF7A  }
0x26: {  	[smem:$0x3F9B] =	sst s1;
	(tag) =	ssettag s2;
	_ =	strace s9  }
0x27: {  	s1 =	sld [smem:$0x3FAB]  }
0x28: {  	s2 =	sld [smem:$0x3FAC]  }
0x29: {  	s4 =	sld [smem:$0x3FAE]  }
0x2a: {  	p0 =	seq.s32 s5, $0x0;
	s5 =	sld [smem:$0x3FAF]  }
0x2b: {  	s6 =	sld [smem:$0x3FB0]  }
0x2c: {  	s7 =	sld [smem:$0x3FB1]  }
0x2d: {  	s3 =	simm.s32 $0x108;
	s8 =	sld [smem:$0x3FB2]  }
0x2e: {  	s3 =	simm.s32 @!p0 $0x1082;
	s9 =	sld [smem:$0x3FB3]  }
0x2f: {  	lr =	sadd.s32 s0, s3;
	s0 =	sld [smem:$0x3FAA]  }
0x30: {  	s3 =	sld [smem:$0x3FAD]  }
0x31: {  	[smem:$0x3FB6] =	sst s10  }
0x32: {  	s10 =	sld [smem:$0x3FB4];
	_ =	sdelay $0x3  }
0x33: {  	p0 =	seq.s32 s10, $0x1;
	s10 =	sld [smem:$0x3FB6];
	_ =	sdelay $0x3  }
0x34: {  	[smem:$0x3FB6] =	sst s10  }
0x35: {  	s10 =	sld [smem:$0x3FB5];
	_ =	sdelay $0x3  }
0x36: {  	p1 =	seq.s32 s10, $0x1;
	s10 =	sld [smem:$0x3FB6];
	_ =	sdelay $0x3  }
0x37: {  	[smem:$0x3FB6] =	sst s10  }
0x38: {  	s10 =	sld [smem:$0x3FB7]  }
0x39: {  	_ = 	snop;
	(pc) =	sbr.ind lr, $3  }
0x3a: {  	_ = 	snop  }
0x3b: {  	_ = 	snop  }
0x3c: {  	p2 =	seq.s32 s10, $0x1;
	s10 =	sld [smem:$0x3FB6]  }
0x3d: {  	_ =	shalt  }
0x3e: {  	_ =	shalt  }
0x3f: {  	_ =	shalt  }
0x40: {  	_ =	shalt  }
0x41: {  	_ =	shalt  }
0x42: {  	_ =	shalt  }
0x43: {  	_ =	shalt  }
0x44: {  	_ =	shalt  }
0x45: {  	_ =	shalt  }
0x46: {  	_ =	shalt  }
0x47: {  	_ =	shalt  }
0x48: {  	_ =	shalt  }
0x49: {  	_ =	shalt  }
0x4a: {  	_ =	shalt  }
0x4b: {  	_ =	shalt  }
0x4c: {  	_ =	shalt  }
0x4d: {  	_ =	shalt  }
0x4e: {  	_ =	shalt  }
0x4f: {  	_ =	shalt  }
0x50: {  	_ =	shalt  }
0x51: {  	_ =	shalt  }
0x52: {  	_ =	shalt  }
0x53: {  	_ =	shalt  }
0x54: {  	_ =	shalt  }
0x55: {  	_ =	shalt  }
0x56: {  	_ =	shalt  }
0x57: {  	_ =	shalt  }
0x58: {  	_ =	shalt  }
0x59: {  	_ =	shalt  }
0x5a: {  	_ =	shalt  }
0x5b: {  	_ =	shalt  }
0x5c: {  	_ =	shalt  }
0x5d: {  	_ =	shalt  }
0x5e: {  	_ =	shalt  }
0x5f: {  	_ =	shalt  }
0x60: {  	_ =	shalt  }
0x61: {  	_ =	shalt  }
0x62: {  	_ =	shalt  }
0x63: {  	_ =	shalt  }
0x64: {  	_ =	shalt  }
0x65: {  	_ =	shalt  }
0x66: {  	_ =	shalt  }
0x67: {  	_ =	shalt  }
0x68: {  	_ =	shalt  }
0x69: {  	_ =	shalt  }
0x6a: {  	_ =	shalt  }
0x6b: {  	_ =	shalt  }
0x6c: {  	_ =	shalt  }
0x6d: {  	_ =	shalt  }
0x6e: {  	_ =	shalt  }
0x6f: {  	_ =	shalt  }
0x70: {  	_ =	shalt  }
0x71: {  	_ =	shalt  }
0x72: {  	_ =	shalt  }
0x73: {  	_ =	shalt  }
0x74: {  	_ =	shalt  }
0x75: {  	_ =	shalt  }
0x76: {  	_ =	shalt  }
0x77: {  	_ =	shalt  }
0x78: {  	_ =	shalt  }
0x79: {  	_ =	shalt  }
0x7a: {  	_ =	shalt  }
0x7b: {  	_ =	shalt  }
0x7c: {  	_ =	shalt  }
0x7d: {  	_ =	shalt  }
0x7e: {  	_ =	shalt  }
0x7f: {  	_ =	shalt  }
0x80: {  	_ =	shalt  }
0x81: {  	_ =	shalt  }
0x82: {  	_ =	shalt  }
0x83: {  	_ =	shalt  }
0x84: {  	_ =	shalt  }
0x85: {  	_ =	shalt  }
0x86: {  	_ =	shalt  }
0x87: {  	_ =	shalt  }
.Lfunc_end0:
.L_simem_size_0:
called_computation.1_lowered:
.L_overlay_start_0:
0x88: {  	s2 =	sld [smem:$0x3FD9]  }
0x89: {  	s3 =	sld [smem:$0x3FFE];
	_ =	sdelay $0x1  }
0x8a: {  	s1 =	srdreg.scid  }
0x8b: {  	s0 =	sand.u32 $0x1, s1  }
0x8c: {  	s16 =	sshll.u32 s0, $0xA;
	s2 =	sadd.s32 s3, s2  }
0x8d: {  	s2 =	sadd.s32 s2, s16  }
0x8e: {  	[smem:$0x3FC2] =	sst s2  }
0x8f: {  	_ = 	snop  }
0x90: {  	(tm) =	ssettm $0x1  }
0x91: {  	s17 =	sld [smem:$0x3FFB];
	_ =	sdelay $0x3  }
0x92: {  	_ =	strace s17  }
0x93: {  	s2 =	sld [smem:$0x3FFC];
	_ =	sdelay $0x3  }
0x94: {  	_ =	strace s2  }
0x95: {  	s2 =	sld [smem:$0x3FFD];
	_ =	sdelay $0x3  }
0x96: {  	_ =	strace s2  }
0x97: {  	_ =	strace $0x8FFFFFFF  }
0x98: {  	s18 =	sld [smem:$0x3FDB];
	_ =	sdelay $0x1  }
0x99: {  	s19 =	simm.s32 $_scs_section_size  }
0x9a: {  	s4 =	simm.s32 $_size__tile_overlayer_lowered;
	s5 =	simm.s32 $_tile_overlayer_lowered  }
0x9b: {  	s22 =	simm.s32 $0x1BFF;
	s21 =	sshll.u32 s5, $0x1;
	s2 =	sadd.s32 s19, s18  }
0x9c: {  	s6 =	simm.s32 $0x0;
	s20 =	sshll.u32 s4, $0x1;
	s4 =	sadd.s32 s21, s2  }
0x9d: {  	[timem:s6], [sflag:s22] =	dma.local [hbm:s4], s20  }
0x9e: {  	_ =	swait.ge [sflag:s22], s20  }
0x9f: {  	s3 =	ssub.s32 $0x0, s20;
	[sflag:s22] =	ssyncset.done $0x0  }
0xa0: {  	[sflag:s22] =	ssyncadd.s32 s3;
	_ =	sdelay $0x1  }
0xa1: {  	s23 =	simm.s32 $0x1B8B  }
0xa2: {  	_ =	swait.ge [sflag:s23], $0x1  }
0xa3: {  	[sflag:s23] =	ssyncset.done $0x0  }
0xa4: {  	s25 =	simm.s32 $0x1B8E;
	s24 =	sld [smem:$0x3FFE];
	[sflag:s23] =	ssyncadd.s32 $0xFFFFFFFF  }
0xa5: {  	s26 =	simm.s32 $execute0_lowered;
	[smem:$0x3FD2] =	sst s25  }
0xa6: {  	s4 =	sshll.u32 s26, $0x1;
	_ =	strace $0x80000049;
	[dreg:$0x1] =	wrdreg $0xFFFFFFFF  }
0xa7: {  	s28 =	simm.s32 $_size_execute0_lowered;
	s2 =	sadd.s32 s2, s4;
	[dreg:$0x0] =	wrdreg $0x0  }
0xa8: {  	s4 =	sshll.u32 s28, $0x1;
	[dreg:$0x2] =	wrdreg s2  }
0xa9: {  	[dreg:$0x3] =	wrdreg s4  }
0xaa: {  	[dreg:$0x4] =	wrdreg $0xC0  }
0xab: {  	_ =	task [dreg:s6], $0x5FFFF  }
0xac: {  	[dreg:$0x1] =	wrdreg $0xFFFFFFFF  }
0xad: {  	[dreg:$0x0] =	wrdreg $0x60  }
0xae: {  	[dreg:$0x2] =	wrdreg s24  }
0xaf: {  	[dreg:$0x3] =	wrdreg $0x0  }
0xb0: {  	[dreg:$0x4] =	wrdreg $0x9  }
0xb1: {  	_ =	task.clear_ibuf [dreg:s6], $0x5FFFF;
	_ =	strace $0x90000049  }
0xb2: {  	s29 =	simm.s32 $0x9;
	_ =	strace $0x8000004B  }
0xb3: {  	_ =	swait.ge [sflag:s29], $0x1  }
0xb4: {  	[sflag:s29] =	ssyncadd.s32 $0xFFFFFFFF  }
0xb5: {  	_ =	strace $0x9000004B  }
0xb6: {  	_ =	sfence  }
0xb7: {  	s30 =	sld [smem:$0x0];
	_ =	sdelay $0x2  }
0xb8: {  	s31 =	sshll.u32 s1, $0xD;
	s1 =	sshrl.u32 s1, $0x2  }
0xb9: {  	s3 =	sand.u32 $0x4000, s31;
	s1 =	sadd.s32 s1, s30  }
0xba: {  	s0 =	sor.u32 s3, s0;
	s1 =	sshll.u32 s1, $0x11  }
0xbb: {  	s0 =	sor.u32 s1, s0  }
0xbc: {  	s0 =	sadd.s32 $0x8F2B, s0  }
0xbd: {  	[sflag:s0] =	ssyncadd.remote.s32 $0x1  }
0xbe: {  	_ =	sfence.sel $0xFFFF  }
0xbf: {  	[dreg:$0x0] =	wrdreg $0xFFFFFFFF;
	(pc) =	sbr.abs _section_cstart, $3  }
0xc0: {  	[dreg:$0x1] =	wrdreg $0xFFFFFFFF  }
0xc1: {  	_ =	task.clear_ibuf [dreg:s6], $0x2FFFF;
	_ =	strace $0x9FFFFFFF  }
0xc2: {  	(tm) =	ssettm $0x7FFFFFFF  }
0xc3: {  	_ =	shalt  }
tec
execute0_lowered:
.L_overlay_start_1:
0x0: {  	(tag) =	ssettag $0x1  }
0x1: {  	s0 =	srdreg.scid  }
0x2: {  	s4 =	stileid.u32;
	s6 =	rddreg [dreg:$0x0]  }
0x3: {  	s2 =	rddreg [dreg:$0x1];
	s3 =	simm.s32 $0x0;
	s14 =	simm.s32 $0xEA60  }
0x4: {  	s15 =	simm.s32 $0x5;
	s16 =	simm.s32 $0x9C40;
	s18 =	simm.s32 $0x80  }
0x5: {  	s20 =	simm.s32 $0x10A60;
	s22 =	simm.s32 $0x12A60;
	s23 =	simm.s32 $0x1  }
0x6: {  	s24 =	simm.s32 $0x14A60;
	s26 =	simm.s32 $0x2;
	s28 =	simm.s32 $0x3  }
0x7: {  	s29 =	simm.s32 $0x4;
	s31 =	simm.s32 $0xE9D0;
	s9 =	smul.u32 $0x13880, s4  }
0x8: {  	s17 =	simm.s32 $0xEA50;
	s0 =	sand.u32 $0x1, s0;
	s7 =	smul.u32 $0x27100, s4  }
0x9: {  	[smem:$0x7FF] =	sst s3;
	s1 =	sshll.u32 s0, $0x4;
	s5 =	smul.u32 $0x138800, s0  }
0xa: {  	_ =	strace $0x8000004A;
	s0 =	ssub.s32 $0x2, s0;
	s1 =	sor.u32 s4, s1  }
0xb: {  	s4 =	sadd.s32 $0x63000, s6;
	s7 =	sshrl.u32 s7, $0x2;
	s10 =	sshrl.u32 s0, $0x1  }
0xc: {  	s30 =	sshrl.u32 s9, $0x1;
	s1 =	smul.u32 $0x2710, s1;
	s5 =	sadd.s32 s9, s5  }
0xd: {  	s0 =	ssub.s32 s0, s10;
	s8 =	sshrl.u32 s5, $0x4;
	s5 =	sadd.s32 s7, s2  }
0xe: {  	s10 =	smax.u32 s0, $0x1;
	s0 =	simm.s32 $0xC340;
	s1 =	sshrl.u32 s1, $0x3  }
0xf: {  	s11 =	sadd.s32 s8, s6;
	s12 =	sadd.s32 $0x4000, s5;
	s13 =	sadd.s32 $0x6000, s5  }
0x10: {  	s1 =	sadd.s32 s1, s6;
	s6 =	sadd.s32 $0x8000, s5;
	s9 =	sadd.s32 $0x76A00, s11  }
0x11: {  	s7 =	sadd.s32 $0x1400, s1;
	s8 =	sadd.s32 $0xB040, s1;
	s1 =	sadd.s32 s30, s2  }
0x12: {  	v0 =	vimm.bf16 $0.0e+00;
	s11 =	sadd.s32 $0x2000, s5;
	s25 =	sshrl.u32 s1, $0x3;
	s1 =	simm.s32 $0x10  }
.LBB2_1:
0x13: {  	s21 =	simm.s32 $0x100;
	s19 =	simm.s32 $0x0  }
.LBB2_2:
0x14: {  	p0 =	sne.s32 s21, $0x7F00;
	[tilespmem:s19+$0xEA90] =	vst v0;
	s30 =	smov.u32 s21;
	s21 =	sadd.s32 $0x100, s21  }
.Ltmp0:
0x15: {  	[tilespmem:s19+$0xEA80] =	vst v0;
	(pc) =	sbr.rel @p0 .LBB2_2-.Ltmp0, $3  }
0x16: {  	[tilespmem:s19+$0xEA60] =	vst v0  }
0x17: {  	[tilespmem:s19+$0xEA70] =	vst v0;
	_ =	sdelay $0x1  }
0x18: {  	s19 =	sshra.s32 s30, $0x2  }
0x19: {  	[tilespmem:s19+$0xEA90] =	vst v0  }
0x1a: {  	[tilespmem:s19+$0xEA80] =	vst v0  }
0x1b: {  	[tilespmem:s19+$0xEA60] =	vst v0  }
0x1c: {  	[tilespmem:s19+$0xEA70] =	vst v0  }
0x1d: {  	[spmem:s5] =	stream.linear.scatter [tilespmem:s14], [sflag:$0x5], $0x2000, $0x38;
	[tilespmem:$0x16A60] =	vst v63  }
0x1e: {  	_ =	swait.ge [sflag:s15], $0x2000  }
0x1f: {  	[sflag:s15] =	ssyncset.done $0x0  }
0x20: {  	[sflag:s15] =	ssyncadd.s32 $0xFFFFE000  }
0x21: {  	[spmem:s11] =	stream.linear.scatter [tilespmem:s14], [sflag:$0x5], $0x2000, $0x38;
	[tilespmem:$0x16A60] =	vst v63  }
0x22: {  	_ =	swait.ge [sflag:s15], $0x2000  }
0x23: {  	[sflag:s15] =	ssyncset.done $0x0  }
0x24: {  	[sflag:s15] =	ssyncadd.s32 $0xFFFFE000  }
0x25: {  	[spmem:s12] =	stream.linear.scatter [tilespmem:s14], [sflag:$0x5], $0x2000, $0x38;
	[tilespmem:$0x16A60] =	vst v63  }
0x26: {  	_ =	swait.ge [sflag:s15], $0x2000  }
0x27: {  	[sflag:s15] =	ssyncset.done $0x0  }
0x28: {  	[sflag:s15] =	ssyncadd.s32 $0xFFFFE000  }
0x29: {  	[spmem:s13] =	stream.linear.scatter [tilespmem:s14], [sflag:$0x5], $0x2000, $0x38;
	[tilespmem:$0x16A60] =	vst v63  }
0x2a: {  	_ =	swait.ge [sflag:s15], $0x2000  }
0x2b: {  	[sflag:s15] =	ssyncset.done $0x0  }
0x2c: {  	[sflag:s15] =	ssyncadd.s32 $0xFFFFE000  }
0x2d: {  	[spmem:s6] =	stream.linear.scatter [tilespmem:s14], [sflag:$0x5], $0x1C40, $0x38;
	[tilespmem:$0x16A60] =	vst v63  }
0x2e: {  	_ =	swait.ge [sflag:s15], $0x1C40  }
0x2f: {  	[sflag:s15] =	ssyncset.done $0x0  }
0x30: {  	[sflag:s15] =	ssyncadd.s32 $0xFFFFE3C0  }
0x31: {  	s30 =	simm.s32 $0x0;
	[bflag:$0x0] =	sbarrier.arrive $0xFFFF  }
0x32: {  	[tilespmem:s16], [sflag:$0x5] =	stream.linear.gather [hbm4b:s7+s30], $0x2710, $0x38;
	[tilespmem:$0x16A60] =	vst v63  }
0x33: {  	_ =	swait.ge [sflag:s15], $0x2710  }
0x34: {  	[sflag:s15] =	ssyncset.done $0x0  }
0x35: {  	s21 =	simm.s32 $0xC350;
	[sflag:s15] =	ssyncadd.s32 $0xFFFFD8F0  }
0x36: {  	[tilespmem:s21], [sflag:$0x5] =	stream.linear.gather [hbm4b:s8+s30], $0x2710, $0x38;
	[tilespmem:$0x16A60] =	vst v63  }
0x37: {  	_ =	swait.ge [sflag:s15], $0x2710  }
0x38: {  	[sflag:s15] =	ssyncset.done $0x0  }
0x39: {  	[sflag:s15] =	ssyncadd.s32 $0xFFFFD8F0  }
0x3a: {  	[tilespmem:s14], [sflag:$0x1] =	stream.indirect.gather [hbm4b:s4+s18], $0x40, s16, s18, $0xb8;
	[tilespmem:$0x16A60] =	vst v63  }
0x3b: {  	s21 =	simm.s32 $0x9CC0  }
0x3c: {  	[tilespmem:s20], [sflag:$0x2] =	stream.indirect.gather [hbm4b:s4+s18], $0x40, s21, s18, $0xb8;
	[tilespmem:$0x16A60] =	vst v63  }
0x3d: {  	s30 =	simm.s32 $0x9D40  }
0x3e: {  	[tilespmem:s22], [sflag:$0x3] =	stream.indirect.gather [hbm4b:s4+s18], $0x40, s30, s18, $0xb8;
	[tilespmem:$0x16A60] =	vst v63  }
0x3f: {  	_ =	swait.ge [sflag:s23], $0x2000  }
0x40: {  	[sflag:s23] =	ssyncset.done $0x0  }
0x41: {  	s21 =	simm.s32 $0x9DC0;
	[sflag:s23] =	ssyncadd.s32 $0xFFFFE000  }
0x42: {  	[tilespmem:s24], [sflag:$0x4] =	stream.indirect.gather [hbm4b:s4+s18], $0x40, s21, s18, $0xb8;
	[tilespmem:$0x16A60] =	vst v63  }
0x43: {  	s30 =	simm.s32 $0xC350  }
0x44: {  	[spmem:s2] =	stream.indirect.scatter.add.bf16 [tilespmem:s14], [sflag:$0x5], $0x40, s30, s18, $0xb8;
	[tilespmem:$0x16A60] =	vst v63  }
0x45: {  	_ =	swait.ge [sflag:s15], $0x2000  }
0x46: {  	[sflag:s15] =	ssyncset.done $0x0  }
0x47: {  	[sflag:s15] =	ssyncadd.s32 $0xFFFFE000  }
0x48: {  	_ =	swait.ge [sflag:s26], $0x2000  }
0x49: {  	[sflag:s26] =	ssyncset.done $0x0  }
0x4a: {  	s21 =	simm.s32 $0x9E40;
	[sflag:s26] =	ssyncadd.s32 $0xFFFFE000  }
0x4b: {  	[tilespmem:s14], [sflag:$0x1] =	stream.indirect.gather [hbm4b:s4+s18], $0x40, s21, s18, $0xb8;
	[tilespmem:$0x16A60] =	vst v63  }
0x4c: {  	s30 =	simm.s32 $0xC3D0  }
0x4d: {  	[spmem:s2] =	stream.indirect.scatter.add.bf16 [tilespmem:s20], [sflag:$0x5], $0x40, s30, s18, $0xb8;
	[tilespmem:$0x16A60] =	vst v63  }
0x4e: {  	_ =	swait.ge [sflag:s15], $0x2000  }
0x4f: {  	[sflag:s15] =	ssyncset.done $0x0  }
0x50: {  	[sflag:s15] =	ssyncadd.s32 $0xFFFFE000  }
0x51: {  	_ =	swait.ge [sflag:s28], $0x2000  }
0x52: {  	[sflag:s28] =	ssyncset.done $0x0  }
0x53: {  	s21 =	simm.s32 $0x9EC0;
	[sflag:s28] =	ssyncadd.s32 $0xFFFFE000  }
0x54: {  	[tilespmem:s20], [sflag:$0x2] =	stream.indirect.gather [hbm4b:s4+s18], $0x40, s21, s18, $0xb8;
	[tilespmem:$0x16A60] =	vst v63  }
0x55: {  	s30 =	simm.s32 $0xC450  }
0x56: {  	[spmem:s2] =	stream.indirect.scatter.add.bf16 [tilespmem:s22], [sflag:$0x5], $0x40, s30, s18, $0xb8;
	[tilespmem:$0x16A60] =	vst v63  }
0x57: {  	_ =	swait.ge [sflag:s15], $0x2000  }
0x58: {  	[sflag:s15] =	ssyncset.done $0x0  }
0x59: {  	[sflag:s15] =	ssyncadd.s32 $0xFFFFE000  }
0x5a: {  	_ =	swait.ge [sflag:s29], $0x2000  }
0x5b: {  	[sflag:s29] =	ssyncset.done $0x0  }
0x5c: {  	s21 =	simm.s32 $0x9F40;
	[sflag:s29] =	ssyncadd.s32 $0xFFFFE000  }
0x5d: {  	[tilespmem:s22], [sflag:$0x3] =	stream.indirect.gather [hbm4b:s4+s18], $0x40, s21, s18, $0xb8;
	[tilespmem:$0x16A60] =	vst v63  }
0x5e: {  	s30 =	simm.s32 $0xC4D0  }
0x5f: {  	[spmem:s2] =	stream.indirect.scatter.add.bf16 [tilespmem:s24], [sflag:$0x5], $0x40, s30, s18, $0xb8;
	[tilespmem:$0x16A60] =	vst v63  }
0x60: {  	_ =	swait.ge [sflag:s15], $0x2000  }
0x61: {  	s19 =	simm.s32 $0x800;
	[sflag:s15] =	ssyncset.done $0x0  }
.LBB2_4:
0x62: {  	p0 =	sne.s32 s19, $0x8800  }
0x63: {  	[sflag:s15] =	ssyncadd.s32 $0xFFFFE000;
	s21 =	smov.u32 s19;
	s19 =	sadd.s32 $0x800, s19  }
0x64: {  	_ = 	snop  }
0x65: {  	_ =	swait.ge [sflag:s23], $0x2000  }
0x66: {  	s21 =	sshra.s32 s21, $0x2;
	[sflag:s23] =	ssyncset.done $0x0  }
0x67: {  	s30 =	sadd.s32 $0x9DC0, s21;
	[sflag:s23] =	ssyncadd.s32 $0xFFFFE000  }
0x68: {  	[tilespmem:s24], [sflag:$0x4] =	stream.indirect.gather [hbm4b:s4+s18], $0x40, s30, s18, $0xb8;
	[tilespmem:$0x16A60] =	vst v63  }
0x69: {  	s30 =	sadd.s32 $0xC350, s21  }
0x6a: {  	[spmem:s2] =	stream.indirect.scatter.add.bf16 [tilespmem:s14], [sflag:$0x5], $0x40, s30, s18, $0xb8;
	[tilespmem:$0x16A60] =	vst v63  }
0x6b: {  	_ =	swait.ge [sflag:s15], $0x2000  }
0x6c: {  	[sflag:s15] =	ssyncset.done $0x0  }
0x6d: {  	[sflag:s15] =	ssyncadd.s32 $0xFFFFE000  }
0x6e: {  	_ =	swait.ge [sflag:s26], $0x2000  }
0x6f: {  	[sflag:s26] =	ssyncset.done $0x0  }
0x70: {  	s30 =	sadd.s32 $0x9E40, s21;
	[sflag:s26] =	ssyncadd.s32 $0xFFFFE000  }
0x71: {  	[tilespmem:s14], [sflag:$0x1] =	stream.indirect.gather [hbm4b:s4+s18], $0x40, s30, s18, $0xb8;
	[tilespmem:$0x16A60] =	vst v63  }
0x72: {  	s30 =	sadd.s32 $0xC3D0, s21  }
0x73: {  	[spmem:s2] =	stream.indirect.scatter.add.bf16 [tilespmem:s20], [sflag:$0x5], $0x40, s30, s18, $0xb8;
	[tilespmem:$0x16A60] =	vst v63  }
0x74: {  	_ =	swait.ge [sflag:s15], $0x2000  }
0x75: {  	[sflag:s15] =	ssyncset.done $0x0  }
0x76: {  	[sflag:s15] =	ssyncadd.s32 $0xFFFFE000  }
0x77: {  	_ =	swait.ge [sflag:s28], $0x2000  }
0x78: {  	[sflag:s28] =	ssyncset.done $0x0  }
0x79: {  	s30 =	sadd.s32 $0x9EC0, s21;
	[sflag:s28] =	ssyncadd.s32 $0xFFFFE000  }
0x7a: {  	[tilespmem:s20], [sflag:$0x2] =	stream.indirect.gather [hbm4b:s4+s18], $0x40, s30, s18, $0xb8;
	[tilespmem:$0x16A60] =	vst v63  }
0x7b: {  	s30 =	sadd.s32 $0xC450, s21  }
0x7c: {  	[spmem:s2] =	stream.indirect.scatter.add.bf16 [tilespmem:s22], [sflag:$0x5], $0x40, s30, s18, $0xb8;
	[tilespmem:$0x16A60] =	vst v63  }
0x7d: {  	_ =	swait.ge [sflag:s15], $0x2000  }
0x7e: {  	[sflag:s15] =	ssyncset.done $0x0  }
0x7f: {  	[sflag:s15] =	ssyncadd.s32 $0xFFFFE000  }
0x80: {  	_ =	swait.ge [sflag:s29], $0x2000  }
0x81: {  	[sflag:s29] =	ssyncset.done $0x0  }
0x82: {  	s30 =	sadd.s32 $0x9F40, s21;
	[sflag:s29] =	ssyncadd.s32 $0xFFFFE000  }
0x83: {  	[tilespmem:s22], [sflag:$0x3] =	stream.indirect.gather [hbm4b:s4+s18], $0x40, s30, s18, $0xb8;
	[tilespmem:$0x16A60] =	vst v63  }
.Ltmp1:
0x84: {  	_ = 	snop;
	(pc) =	sbr.rel @p0 .LBB2_4-.Ltmp1, $4  }
0x85: {  	s21 =	sadd.s32 $0xC4D0, s21  }
0x86: {  	[spmem:s2] =	stream.indirect.scatter.add.bf16 [tilespmem:s24], [sflag:$0x5], $0x40, s21, s18, $0xb8;
	[tilespmem:$0x16A60] =	vst v63  }
0x87: {  	_ =	swait.ge [sflag:s15], $0x2000  }
0x88: {  	[sflag:s15] =	ssyncset.done $0x0  }
0x89: {  	[sflag:s15] =	ssyncadd.s32 $0xFFFFE000  }
0x8a: {  	_ =	swait.ge [sflag:s23], $0x2000  }
0x8b: {  	[sflag:s23] =	ssyncset.done $0x0  }
0x8c: {  	s19 =	simm.s32 $0xC1C0;
	[sflag:s23] =	ssyncadd.s32 $0xFFFFE000  }
0x8d: {  	[tilespmem:s24], [sflag:$0x4] =	stream.indirect.gather [hbm4b:s4+s18], $0x40, s19, s18, $0xb8;
	[tilespmem:$0x16A60] =	vst v63  }
0x8e: {  	s21 =	simm.s32 $0xE750  }
0x8f: {  	[spmem:s2] =	stream.indirect.scatter.add.bf16 [tilespmem:s14], [sflag:$0x5], $0x40, s21, s18, $0xb8;
	[tilespmem:$0x16A60] =	vst v63  }
0x90: {  	_ =	swait.ge [sflag:s15], $0x2000  }
0x91: {  	[sflag:s15] =	ssyncset.done $0x0  }
0x92: {  	[sflag:s15] =	ssyncadd.s32 $0xFFFFE000  }
0x93: {  	_ =	swait.ge [sflag:s26], $0x2000  }
0x94: {  	[sflag:s26] =	ssyncset.done $0x0  }
0x95: {  	s30 =	simm.s32 $0xC240;
	[sflag:s26] =	ssyncadd.s32 $0xFFFFE000  }
0x96: {  	[tilespmem:s14], [sflag:$0x1] =	stream.indirect.gather [hbm4b:s4+s18], $0x40, s30, s18, $0xb8;
	[tilespmem:$0x16A60] =	vst v63  }
0x97: {  	s21 =	simm.s32 $0xE7D0  }
0x98: {  	[spmem:s2] =	stream.indirect.scatter.add.bf16 [tilespmem:s20], [sflag:$0x5], $0x40, s21, s18, $0xb8;
	[tilespmem:$0x16A60] =	vst v63  }
0x99: {  	_ =	swait.ge [sflag:s15], $0x2000  }
0x9a: {  	[sflag:s15] =	ssyncset.done $0x0  }
0x9b: {  	[sflag:s15] =	ssyncadd.s32 $0xFFFFE000  }
0x9c: {  	_ =	swait.ge [sflag:s28], $0x2000  }
0x9d: {  	[sflag:s28] =	ssyncset.done $0x0  }
0x9e: {  	s30 =	simm.s32 $0xC2C0;
	[sflag:s28] =	ssyncadd.s32 $0xFFFFE000  }
0x9f: {  	[tilespmem:s20], [sflag:$0x2] =	stream.indirect.gather [hbm4b:s4+s18], $0x40, s30, s18, $0xb8;
	[tilespmem:$0x16A60] =	vst v63  }
0xa0: {  	s21 =	simm.s32 $0xE850  }
0xa1: {  	[spmem:s2] =	stream.indirect.scatter.add.bf16 [tilespmem:s22], [sflag:$0x5], $0x40, s21, s18, $0xb8;
	[tilespmem:$0x16A60] =	vst v63  }
0xa2: {  	_ =	swait.ge [sflag:s15], $0x2000  }
0xa3: {  	[sflag:s15] =	ssyncset.done $0x0  }
0xa4: {  	[sflag:s15] =	ssyncadd.s32 $0xFFFFE000  }
0xa5: {  	_ =	swait.ge [sflag:s29], $0x2000  }
0xa6: {  	[sflag:s29] =	ssyncset.done $0x0  }
0xa7: {  	s30 =	simm.s32 $0xE8D0;
	[sflag:s29] =	ssyncadd.s32 $0xFFFFE000  }
0xa8: {  	[spmem:s2] =	stream.indirect.scatter.add.bf16 [tilespmem:s24], [sflag:$0x5], $0x40, s30, s18, $0xb8;
	[tilespmem:$0x16A60] =	vst v63  }
0xa9: {  	_ =	swait.ge [sflag:s15], $0x2000  }
0xaa: {  	[sflag:s15] =	ssyncset.done $0x0  }
0xab: {  	[sflag:s15] =	ssyncadd.s32 $0xFFFFE000  }
0xac: {  	_ =	swait.ge [sflag:s23], $0x2000  }
0xad: {  	[sflag:s23] =	ssyncset.done $0x0  }
0xae: {  	s21 =	simm.s32 $0xE950;
	[sflag:s23] =	ssyncadd.s32 $0xFFFFE000  }
0xaf: {  	[spmem:s2] =	stream.indirect.scatter.add.bf16 [tilespmem:s14], [sflag:$0x5], $0x40, s21, s18, $0xb8;
	[tilespmem:$0x16A60] =	vst v63  }
0xb0: {  	_ =	swait.ge [sflag:s15], $0x2000  }
0xb1: {  	[sflag:s15] =	ssyncset.done $0x0  }
0xb2: {  	[sflag:s15] =	ssyncadd.s32 $0xFFFFE000  }
0xb3: {  	_ =	swait.ge [sflag:s26], $0x2000  }
0xb4: {  	[sflag:s26] =	ssyncset.done $0x0  }
0xb5: {  	[sflag:s26] =	ssyncadd.s32 $0xFFFFE000  }
0xb6: {  	[spmem:s2] =	stream.indirect.scatter.add.bf16 [tilespmem:s20], [sflag:$0x5], $0x40, s31, s18, $0xb8;
	[tilespmem:$0x16A60] =	vst v63  }
0xb7: {  	_ =	swait.ge [sflag:s15], $0x2000  }
0xb8: {  	[sflag:s15] =	ssyncset.done $0x0  }
0xb9: {  	[sflag:s15] =	ssyncadd.s32 $0xFFFFE000  }
0xba: {  	[tilespmem:s14], [sflag:$0x1] =	stream.indirect.gather [hbm4b:s4+s1], $0x40, s0, s1, $0xb8;
	[tilespmem:$0x16A60] =	vst v63  }
0xbb: {  	_ =	swait.ge [sflag:s23], $0x400  }
0xbc: {  	[sflag:s23] =	ssyncset.done $0x0  }
0xbd: {  	[sflag:s23] =	ssyncadd.s32 $0xFFFFFC00  }
0xbe: {  	[spmem:s2] =	stream.indirect.scatter.add.bf16 [tilespmem:s14], [sflag:$0x5], $0x40, s17, s1, $0xb8;
	[tilespmem:$0x16A60] =	vst v63  }
0xbf: {  	_ =	swait.ge [sflag:s15], $0x400  }
0xc0: {  	s3 =	sadd.s32 $0x1, s3;
	s30 =	stileid.u32;
	[sflag:s15] =	ssyncset.done $0x0  }
0xc1: {  	p0 =	sne.s32 s3, s10;
	s19 =	sshll.u32 s30, $0x6;
	[sflag:s15] =	ssyncadd.s32 $0xFFFFFC00  }
.Ltmp2:
0xc2: {  	s19 =	sor.u32 $0x1C05, s19;
	[bflag:$0x0] =	sbarrier.arrive $0xFFFF;
	(pc) =	sbr.rel @p0 .LBB2_1-.Ltmp2, $4  }
0xc3: {  	[hbm:s9], [sflag:s19] =	dma.local [spmem:s25], $0x1388  }
0xc4: {  	_ =	swait.ge [sflag:s15], $0x1388  }
0xc5: {  	[sflag:s15] =	ssyncset.done $0x0  }
0xc6: {  	[sflag:s15] =	ssyncadd.s32 $0xFFFFEC78  }
0xc7: {  	_ =	sfence.sel $0x180000  }
0xc8: {  	[bflag:$0x0] =	sbarrier.arrive $0xFFFF  }
0xc9: {  	_ =	strace $0x9000004A  }
0xca: {  	s0 =	stileid.u32;
	[bflag:$0x2] =	sbarrier.arrive $0xFFFF  }
0xcb: {  	p0 =	sne.s32 s0, $0x0;
	s0 =	rddreg [dreg:$0x2]  }
0xcc: {  	s0 =	sadd.s32 @!p0 $0x100000, s0  }
0xcd: {  	[sflag:s0] =	ssyncadd.tile.s32 @!p0 $0x1;
	_ =	shalt  }
.Lfunc_end2:
_tile_overlayer_lowered:
.L_overlay_start_2:
0xce: {  	(tag) =	ssettag $0x2  }
0xcf: {  	s0 =	rddreg [dreg:$0x0];
	s2 =	stileid.u32  }
0xd0: {  	s1 =	rddreg [dreg:$0x1];
	p0 =	sne.s32 s2, $0x0  }
0xd1: {  	s3 =	rddreg [dreg:$0x2];
	[bflag:$0x3] =	sbarrier.arrive $0xFFFF;
	s2 =	simm.s32 @!p0 $0x1C05  }
0xd2: {  	[timem:s3], [sflag:s2] =	dma.local @!p0 [hbm:s0], s1  }
0xd3: {  	s0 =	simm.s32 @!p0 $0x5  }
0xd4: {  	_ =	swait.ge @!p0 [sflag:s0], s1  }
0xd5: {  	s1 =	ssub.s32 @!p0 $0x0, s1;
	[sflag:s0] =	ssyncset.done @!p0 $0x0  }
0xd6: {  	[sflag:s0] =	ssyncadd.s32 @!p0 s1  }
0xd7: {  	[bflag:$0x3] =	sbarrier.arrive $0xFFFF  }
0xd8: {  	_ =	shalt  }

</sc_bundles>
